<compile_context>
chip_gen: v7x
topology: tpu7x:2x2x1
jax: 0.10.2.dev20260603
libtpu: 0.0.44.dev20260713+nightly
codegen_flags: <defaults>
</compile_context>

<pallas_src>
import functools
import math

import jax
import jax.numpy as jnp
from jax import lax
from jax.experimental import pallas as pl
from jax.experimental.pallas import tpu as pltpu
from jax.experimental.pallas import tpu_sc as plsc

N = 10000
E = 320000
H = 128
V = 100
K = 64
CUT_R = 5.0
BETA = (2.0 / K * (1.0 - math.exp(-CUT_R))) ** -2
NDIST = int(CUT_R) - 1

NC = 2
NS = 16
NW = NC * NS
E_PER_W = E // NW
CHUNK = 80
E_CHUNKS = E_PER_W // CHUNK
NIDX_BUF = 320


def _tables_body(nemb_ref, wn_ref, bn_ref, demb_ref, wd_ref, bd_ref,
                 ntab_ref, dtab_ref):
    ntab_ref[...] = jnp.maximum(
        jnp.dot(nemb_ref[...], wn_ref[...],
                preferred_element_type=jnp.float32) + bn_ref[...], 0.0)
    dtab_ref[...] = jnp.maximum(
        jnp.dot(demb_ref[...], wd_ref[...],
                preferred_element_type=jnp.float32) + bd_ref[...], 0.0)


def _rbf_body(feat_ref, mu_ref, w_ref, b_ref, out_ref):
    d = feat_ref[...].reshape(1, feat_ref.shape[2])
    t = jnp.exp(-d)
    diff = t - mu_ref[...]
    rbf_t = jnp.exp((-BETA) * diff * diff)
    acc = lax.dot_general(rbf_t, w_ref[...], (((0,), (0,)), ((), ())),
                          preferred_element_type=jnp.float32)
    out_ref[...] = jnp.maximum(acc + b_ref[...], 0.0)


NBUF = 5


def _sc_body(feat_hbm, nidx_hbm, dtab_hbm, ntab_hbm, nfc_hbm,
             eh_emb_hbm, h_hbm, hin_hbm,
             feat_v, idx_v, nidx_v, tab_v, ntab_sp,
             r0, r1, r2, r3, r4, gs0, gs1, gs2, gs3, gs4,
             ws0, ws1, ws2, ws3, ws4):
    rows = [r0, r1, r2, r3, r4]
    gsems = [gs0, gs1, gs2, gs3, gs4]
    wsems = [ws0, ws1, ws2, ws3, ws4]
    wid = lax.axis_index("s") * NC + lax.axis_index("c")
    ebase = wid * E_PER_W

    @pl.when(lax.axis_index("s") == 0)
    def _stage_table():
        pltpu.sync_copy(dtab_hbm, tab_v)

    @pl.when(lax.axis_index("s") == 1)
    def _stage_ntable():
        pltpu.sync_copy(ntab_hbm, ntab_sp)

    plsc.subcore_barrier()

    pltpu.sync_copy(feat_hbm.at[pl.ds(ebase, E_PER_W)], feat_v)

    def idx_block(j, carry):
        for i in range(25):
            o = (j * 25 + i) * 16
            v = feat_v[pl.ds(o, 16)]
            v = jnp.minimum(jnp.maximum(v, 1.0), 4.99999)
            idx_v[pl.ds(o, 16)] = v.astype(jnp.int32) - 1
        return carry

    lax.fori_loop(0, E_PER_W // (16 * 25), idx_block, 0)

    def g_start(c, b):
        pltpu.async_copy(tab_v.at[idx_v.at[pl.ds(c * CHUNK, CHUNK)]],
                         rows[b], gsems[b])

    def g_wait(b):
        pltpu.make_async_copy(eh_emb_hbm.at[pl.ds(0, CHUNK)], rows[b],
                              gsems[b]).wait()

    def o_start(c, b):
        pltpu.async_copy(rows[b],
                         eh_emb_hbm.at[pl.ds(ebase + c * CHUNK, CHUNK)],
                         wsems[b])

    def o_wait(b):
        pltpu.make_async_copy(rows[b], eh_emb_hbm.at[pl.ds(0, CHUNK)],
                              wsems[b]).wait()

    for b in range(NBUF):
        g_start(b, b)
    for b in range(NBUF):
        g_wait(b)
        o_start(b, b)

    def group(g, carry):
        c0 = g * NBUF
        for b in range(NBUF):
            o_wait(b)
            g_start(c0 + b, b)
        for b in range(NBUF):
            g_wait(b)
            o_start(c0 + b, b)
        return carry

    lax.fori_loop(1, E_CHUNKS // NBUF, group, 0)

    for b in range(NBUF):
        o_wait(b)

    NPW = 312
    SIZES = (80, 80, 80, 72)
    OFFS = (0, 80, 160, 240)
    nbase = wid * NPW
    pltpu.sync_copy(nidx_hbm.at[pl.ds(nbase, NPW)], nidx_v.at[pl.ds(0, NPW)])

    def n_bufs(c):
        i = 2 * (c % 2)
        return rows[i], rows[i + 1], gsems[i], gsems[i + 1]

    def n_fire(c):
        sz, of = SIZES[c], OFFS[c]
        bt, bf, st, sf = n_bufs(c)
        pltpu.async_copy(ntab_sp.at[nidx_v.at[pl.ds(of, sz)]],
                         bt.at[pl.ds(0, sz)], st)
        pltpu.async_copy(nfc_hbm.at[pl.ds(nbase + of, sz)],
                         bf.at[pl.ds(0, sz)], sf)

    def n_drain(c):
        sz, of = SIZES[c], OFFS[c]
        bt, bf, st, sf = n_bufs(c)
        pltpu.make_async_copy(h_hbm.at[pl.ds(0, sz)], bt.at[pl.ds(0, sz)],
                              st).wait()
        pltpu.sync_copy(bt.at[pl.ds(0, sz)], h_hbm.at[pl.ds(nbase + of, sz)])
        pltpu.make_async_copy(h_hbm.at[pl.ds(0, sz)], bf.at[pl.ds(0, sz)],
                              sf).wait()
        pltpu.sync_copy(bf.at[pl.ds(0, sz)],
                        hin_hbm.at[pl.ds(nbase + of, sz)])

    n_fire(0)
    for c in range(len(SIZES)):
        if c + 1 < len(SIZES):
            n_fire(c + 1)
        n_drain(c)

    @pl.when(wid == NW - 1)
    def _node_tail():
        tb = NW * NPW
        tsz = N - tb
        pltpu.sync_copy(nidx_hbm.at[pl.ds(tb, tsz)],
                        nidx_v.at[pl.ds(0, tsz)])
        pltpu.async_copy(ntab_sp.at[nidx_v.at[pl.ds(0, tsz)]],
                         rows[0].at[pl.ds(0, tsz)], gsems[0])
        pltpu.async_copy(nfc_hbm.at[pl.ds(tb, tsz)],
                         rows[1].at[pl.ds(0, tsz)], gsems[1])
        pltpu.make_async_copy(h_hbm.at[pl.ds(0, tsz)],
                              rows[0].at[pl.ds(0, tsz)], gsems[0]).wait()
        pltpu.sync_copy(rows[0].at[pl.ds(0, tsz)], h_hbm.at[pl.ds(tb, tsz)])
        pltpu.make_async_copy(h_hbm.at[pl.ds(0, tsz)],
                              rows[1].at[pl.ds(0, tsz)], gsems[1]).wait()
        pltpu.sync_copy(rows[1].at[pl.ds(0, tsz)],
                        hin_hbm.at[pl.ds(tb, tsz)])


def kernel(node_feat_continuous, node_feat_discrete, edge_feat_continuous,
           node_emb, dist_emb, W_node, b_node, W_dist, b_dist,
           W_edge, b_edge, mu):
    f32 = jnp.float32
    bn2 = b_node.reshape(1, H)
    bd2 = b_dist.reshape(1, H)
    be2 = b_edge.reshape(1, H)
    mu2 = mu.reshape(K, 1)
    feat_flat = edge_feat_continuous.reshape(E)
    nidx = node_feat_discrete.astype(jnp.int32)

    ntab, dtab = pl.pallas_call(
        _tables_body,
        out_shape=(jax.ShapeDtypeStruct((V, H), f32),
                   jax.ShapeDtypeStruct((NDIST, H), f32)),
    )(node_emb, W_node, bn2, dist_emb, W_dist, bd2)

    sc_fn = functools.partial(
        pl.kernel,
        mesh=plsc.VectorSubcoreMesh(core_axis_name="c", subcore_axis_name="s"),
        out_type=(jax.ShapeDtypeStruct((E, H), f32),
                  jax.ShapeDtypeStruct((N, H), f32),
                  jax.ShapeDtypeStruct((N, H), f32)),
        scratch_types=[
            pltpu.VMEM((E_PER_W,), f32),
            pltpu.VMEM((E_PER_W,), jnp.int32),
            pltpu.VMEM((NIDX_BUF,), jnp.int32),
            pltpu.VMEM_SHARED((NDIST, H), f32),
            pltpu.VMEM_SHARED((V, H), f32),
        ] + [pltpu.VMEM((CHUNK, H), f32) for _ in range(NBUF)]
          + [pltpu.SemaphoreType.DMA for _ in range(2 * NBUF)],
    )(_sc_body)
    eh_emb, h, h_in = sc_fn(feat_flat, nidx, dtab, ntab, node_feat_continuous)

    BE = 16000
    feat3d = feat_flat.reshape(E // BE, 1, BE)
    eh_rbf = pl.pallas_call(
        _rbf_body,
        grid=(E // BE,),
        in_specs=[
            pl.BlockSpec((1, 1, BE), lambda i: (i, 0, 0)),
            pl.BlockSpec((K, 1), lambda i: (0, 0)),
            pl.BlockSpec((K, H), lambda i: (0, 0)),
            pl.BlockSpec((1, H), lambda i: (0, 0)),
        ],
        out_specs=pl.BlockSpec((BE, H), lambda i: (i, 0)),
        out_shape=jax.ShapeDtypeStruct((E, H), f32),
    )(feat3d, mu2, W_edge, be2)

    return (h, h_in, eh_rbf, eh_emb)

# --- scband reference (transcript-rebuilt; emitter-appended) ---
"""Pipeline reference for scband-dist-graph-input-module-49572512530560 (READ-ONLY COPY).

The authoritative reference and input builder live on the scoring server;
editing this copy changes nothing except your own understanding.
"""

import jax, jax.numpy as jnp
import numpy as np
import math

N = 10000
E = 320000
H = 128
V = 100
K = 64
CUT_R = 5.0


def setup_inputs(seed: int = 0):
    key = jax.random.key(seed)
    ks = jax.random.split(key, 10)
    s3 = math.sqrt(3.0)
    lim_h = math.sqrt(6.0 / (H + H))
    lim_e = math.sqrt(6.0 / (K + H))
    inp = {}
    inp['node_feat_continuous'] = jax.random.normal(ks[0], (N, H), dtype=jnp.float32)
    inp['node_feat_discrete'] = jax.random.randint(ks[1], (N,), 0, V)
    inp['edge_feat_continuous'] = jax.random.uniform(ks[2], (E, 1), dtype=jnp.float32) * CUT_R
    inp['node_emb'] = jax.random.uniform(ks[3], (V, H), minval=-s3, maxval=s3, dtype=jnp.float32)
    inp['dist_emb'] = jax.random.uniform(ks[4], (int(CUT_R) - 1, H), minval=-s3, maxval=s3, dtype=jnp.float32)
    inp['W_node'] = jax.random.uniform(ks[5], (H, H), minval=-lim_h, maxval=lim_h, dtype=jnp.float32)
    inp['b_node'] = jnp.zeros((H,), dtype=jnp.float32)
    inp['W_dist'] = jax.random.uniform(ks[6], (H, H), minval=-lim_h, maxval=lim_h, dtype=jnp.float32)
    inp['b_dist'] = jnp.zeros((H,), dtype=jnp.float32)
    inp['W_edge'] = jax.random.uniform(ks[7], (K, H), minval=-lim_e, maxval=lim_e, dtype=jnp.float32)
    inp['b_edge'] = jnp.zeros((H,), dtype=jnp.float32)
    inp['mu'] = jnp.linspace(math.exp(-CUT_R), 1.0, K, dtype=jnp.float32)
    return inp


def reference(node_feat_continuous, node_feat_discrete, edge_feat_continuous, node_emb, dist_emb, W_node, b_node, W_dist, b_dist, W_edge, b_edge, mu):
    beta = (2.0 / K * (1.0 - math.exp(-CUT_R))) ** -2
    # node type embedding lookup + dense
    h = jnp.take(node_emb, node_feat_discrete, axis=0)
    h = jax.nn.relu(h @ W_node + b_node)
    h_in = node_feat_continuous
    # discretized distance embedding lookup + dense
    dist = jnp.clip(jnp.squeeze(edge_feat_continuous), 1.0, 4.99999).astype(jnp.int32) - 1
    eh_emb = jnp.take(dist_emb, dist, axis=0)
    eh_emb = jax.nn.relu(eh_emb @ W_dist + b_dist)
    # shrink-RBF expansion (PhysNet-style exp-shrunk Gaussian basis) + dense
    eh_rbf = jnp.exp(-beta * (jnp.exp(-edge_feat_continuous) - mu) ** 2)
    eh_rbf = jax.nn.relu(eh_rbf @ W_edge + b_edge)
    return (h, h_in, eh_rbf, eh_emb)

if __name__ == "__main__":
    import jax
    _d = setup_inputs()
    print(jax.jit(kernel)(*tuple(_d.values())))

</pallas_src>

<mosaic_0001>
#map = affine_map<(d0, d1) -> (0)>
#map1 = affine_map<(d0, d1) -> (0, 0)>
module attributes {stable_mosaic.version = 14 : i64} {
  func.func @_sc_body(%arg0: i32, %arg1: i32, %arg2: memref<320000xf32, #tpu.memory_space<hbm>>, %arg3: memref<10000xi32, #tpu.memory_space<hbm>>, %arg4: memref<4x128xf32, #tpu.memory_space<hbm>>, %arg5: memref<100x128xf32, #tpu.memory_space<hbm>>, %arg6: memref<10000x128xf32, #tpu.memory_space<hbm>>, %arg7: memref<320000x128xf32, #tpu.memory_space<hbm>>, %arg8: memref<10000x128xf32, #tpu.memory_space<hbm>>, %arg9: memref<10000x128xf32, #tpu.memory_space<hbm>>, %arg10: memref<10000xf32, #tpu.memory_space<vmem>>, %arg11: memref<10000xi32, #tpu.memory_space<vmem>>, %arg12: memref<320xi32, #tpu.memory_space<vmem>>, %arg13: memref<4x128xf32, #tpu.memory_space<vmem_shared>>, %arg14: memref<100x128xf32, #tpu.memory_space<vmem_shared>>, %arg15: memref<80x128xf32, #tpu.memory_space<vmem>>, %arg16: memref<80x128xf32, #tpu.memory_space<vmem>>, %arg17: memref<80x128xf32, #tpu.memory_space<vmem>>, %arg18: memref<80x128xf32, #tpu.memory_space<vmem>>, %arg19: memref<80x128xf32, #tpu.memory_space<vmem>>, %arg20: memref<!tpu.dma_semaphore, #tpu.memory_space<semaphore_mem>>, %arg21: memref<!tpu.dma_semaphore, #tpu.memory_space<semaphore_mem>>, %arg22: memref<!tpu.dma_semaphore, #tpu.memory_space<semaphore_mem>>, %arg23: memref<!tpu.dma_semaphore, #tpu.memory_space<semaphore_mem>>, %arg24: memref<!tpu.dma_semaphore, #tpu.memory_space<semaphore_mem>>, %arg25: memref<!tpu.dma_semaphore, #tpu.memory_space<semaphore_mem>>, %arg26: memref<!tpu.dma_semaphore, #tpu.memory_space<semaphore_mem>>, %arg27: memref<!tpu.dma_semaphore, #tpu.memory_space<semaphore_mem>>, %arg28: memref<!tpu.dma_semaphore, #tpu.memory_space<semaphore_mem>>, %arg29: memref<!tpu.dma_semaphore, #tpu.memory_space<semaphore_mem>>) attributes {dimension_semantics = [#tpu.dimension_semantics<core_parallel>, #tpu.dimension_semantics<subcore_parallel>], iteration_bounds = array<i64: 2, 16>, scalar_prefetch = 0 : i64, scratch_operands = 20 : i64, tpu.core_type = #tpu.core_type<sc_vector_subcore>, window_params = [{transform_indices = #map}, {transform_indices = #map}, {transform_indices = #map1}, {transform_indices = #map1}, {transform_indices = #map1}, {transform_indices = #map1}, {transform_indices = #map1}, {transform_indices = #map1}]} {
    %mul3A = arith.constant 2 : i32
    %mul3A_0 = arith.muli %arg1, %mul3A : i32
    %add3A = arith.addi %mul3A_0, %arg0 : i32
    %mul3A_1 = arith.constant 10000 : i32
    %mul3A_2 = arith.muli %add3A, %mul3A_1 : i32
    %eq3A = arith.constant 0 : i32
    %eq3A_3 = arith.cmpi eq, %arg1, %eq3A : i32
    %convert_element_type3A = arith.extui %eq3A_3 : i1 to i32
    %cond3A = arith.constant 0 : i32
    %cond3A_4 = arith.cmpi ne, %convert_element_type3A, %cond3A : i32
    scf.if %cond3A_4 {
      "tpu.region"() ({
        %run_scoped3A = tpu.sem_alloc : memref<!tpu.dma_semaphore, #tpu.memory_space<semaphore_mem>>
        tpu.enqueue_dma source(%arg4 : memref<4x128xf32, #tpu.memory_space<hbm>>) target(%arg13 : memref<4x128xf32, #tpu.memory_space<vmem_shared>>) target_semaphore(%run_scoped3A : memref<!tpu.dma_semaphore, #tpu.memory_space<semaphore_mem>>)
        tpu.wait_dma2 semaphore(%run_scoped3A : memref<!tpu.dma_semaphore, #tpu.memory_space<semaphore_mem>>) src(%arg4 : memref<4x128xf32, #tpu.memory_space<hbm>>) dst(%arg13 : memref<4x128xf32, #tpu.memory_space<vmem_shared>>)
        tpu.yield
      }) : () -> ()
    } else {
    }
    %eq3A_5 = arith.constant 1 : i32
    %eq3A_6 = arith.cmpi eq, %arg1, %eq3A_5 : i32
    %convert_element_type3A_7 = arith.extui %eq3A_6 : i1 to i32
    %cond3A_8 = arith.constant 0 : i32
    %cond3A_9 = arith.cmpi ne, %convert_element_type3A_7, %cond3A_8 : i32
    scf.if %cond3A_9 {
      "tpu.region"() ({
        %run_scoped3A = tpu.sem_alloc : memref<!tpu.dma_semaphore, #tpu.memory_space<semaphore_mem>>
        tpu.enqueue_dma source(%arg5 : memref<100x128xf32, #tpu.memory_space<hbm>>) target(%arg14 : memref<100x128xf32, #tpu.memory_space<vmem_shared>>) target_semaphore(%run_scoped3A : memref<!tpu.dma_semaphore, #tpu.memory_space<semaphore_mem>>)
        tpu.wait_dma2 semaphore(%run_scoped3A : memref<!tpu.dma_semaphore, #tpu.memory_space<semaphore_mem>>) src(%arg5 : memref<100x128xf32, #tpu.memory_space<hbm>>) dst(%arg14 : memref<100x128xf32, #tpu.memory_space<vmem_shared>>)
        tpu.yield
      }) : () -> ()
    } else {
    }
    %barrier3A = arith.constant 0 : index
    tpu.barrier barrier_id(%barrier3A)
    "tpu.region"() ({
      %run_scoped3A = tpu.sem_alloc : memref<!tpu.dma_semaphore, #tpu.memory_space<semaphore_mem>>
      %dma_start3A_333 = tpu.memref_slice %arg2[%mul3A_2] : memref<320000xf32, #tpu.memory_space<hbm>> -> memref<10000xf32, #tpu.memory_space<hbm>>
      %dma_start3A_334 = tpu.memref_slice %arg2[%mul3A_2] : memref<320000xf32, #tpu.memory_space<hbm>> -> memref<10000xf32, #tpu.memory_space<hbm>>
      tpu.enqueue_dma source(%dma_start3A_334 : memref<10000xf32, #tpu.memory_space<hbm>>) target(%arg10 : memref<10000xf32, #tpu.memory_space<vmem>>) target_semaphore(%run_scoped3A : memref<!tpu.dma_semaphore, #tpu.memory_space<semaphore_mem>>)
      %dma_wait3A_335 = tpu.memref_slice %arg2[%mul3A_2] : memref<320000xf32, #tpu.memory_space<hbm>> -> memref<10000xf32, #tpu.memory_space<hbm>>
      %dma_wait3A_336 = tpu.memref_slice %arg2[%mul3A_2] : memref<320000xf32, #tpu.memory_space<hbm>> -> memref<10000xf32, #tpu.memory_space<hbm>>
      tpu.wait_dma2 semaphore(%run_scoped3A : memref<!tpu.dma_semaphore, #tpu.memory_space<semaphore_mem>>) src(%dma_wait3A_336 : memref<10000xf32, #tpu.memory_space<hbm>>) dst(%arg10 : memref<10000xf32, #tpu.memory_space<vmem>>)
      tpu.yield
    }) : () -> ()
    %scan3A = arith.constant 0 : i32
    %scan3A_10 = arith.constant 0 : i32
    %scan3A_11 = arith.constant 25 : i32
    %scan3A_12 = arith.addi %scan3A_10, %scan3A_11 : i32
    %scan3A_13 = arith.constant 1 : i32
    scf.for %scan3A_333 = %scan3A_10 to %scan3A_12 step %scan3A_13  : i32 {
      %mul3A_334 = arith.constant 25 : i32
      %mul3A_335 = arith.muli %scan3A_333, %mul3A_334 : i32
      %add3A_336 = arith.constant 0 : i32
      %add3A_337 = arith.addi %mul3A_335, %add3A_336 : i32
      %mul3A_338 = arith.constant 16 : i32
      %mul3A_339 = arith.muli %add3A_337, %mul3A_338 : i32
      %get3A = arith.index_cast %mul3A_339 : i32 to index
      %get3A_340 = tpu.vector_load %arg10[%get3A] {strides = array<i32>} : memref<10000xf32, #tpu.memory_space<vmem>>, vector<16xf32>,
      %get3A_341 = vector.shape_cast %get3A_340 : vector<16xf32> to vector<16xf32>
      %max3A = arith.constant 1.000000e+00 : f32
      %max3A_342 = vector.broadcast %max3A : f32 to vector<16xf32>
      %max3A_343 = arith.maximumf %get3A_341, %max3A_342 : vector<16xf32>
      %min3A = arith.constant 4.999990e+00 : f32
      %min3A_344 = vector.broadcast %min3A : f32 to vector<16xf32>
      %min3A_345 = arith.minimumf %max3A_343, %min3A_344 : vector<16xf32>
      %convert_element_type3A_346 = arith.fptosi %min3A_345 : vector<16xf32> to vector<16xi32>
      %sub3A = arith.constant 1 : i32
      %sub3A_347 = vector.broadcast %sub3A : i32 to vector<16xi32>
      %sub3A_348 = arith.subi %convert_element_type3A_346, %sub3A_347 : vector<16xi32>
      %swap3A = arith.index_cast %mul3A_339 : i32 to index
      %swap3A_349 = tpu.vector_load %arg11[%swap3A] {strides = array<i32>} : memref<10000xi32, #tpu.memory_space<vmem>>, vector<16xi32>,
      %swap3A_350 = vector.shape_cast %swap3A_349 : vector<16xi32> to vector<16xi32>
      %swap3A_351 = vector.shape_cast %sub3A_348 : vector<16xi32> to vector<16xi32>
      tpu.vector_store %arg11[%swap3A], %swap3A_351 {strides = array<i32>} : memref<10000xi32, #tpu.memory_space<vmem>>, vector<16xi32>,
      %mul3A_352 = arith.constant 25 : i32
      %mul3A_353 = arith.muli %scan3A_333, %mul3A_352 : i32
      %add3A_354 = arith.constant 1 : i32
      %add3A_355 = arith.addi %mul3A_353, %add3A_354 : i32
      %mul3A_356 = arith.constant 16 : i32
      %mul3A_357 = arith.muli %add3A_355, %mul3A_356 : i32
      %get3A_358 = arith.index_cast %mul3A_357 : i32 to index
      %get3A_359 = tpu.vector_load %arg10[%get3A_358] {strides = array<i32>} : memref<10000xf32, #tpu.memory_space<vmem>>, vector<16xf32>,
      %get3A_360 = vector.shape_cast %get3A_359 : vector<16xf32> to vector<16xf32>
      %max3A_361 = arith.constant 1.000000e+00 : f32
      %max3A_362 = vector.broadcast %max3A_361 : f32 to vector<16xf32>
      %max3A_363 = arith.maximumf %get3A_360, %max3A_362 : vector<16xf32>
      %min3A_364 = arith.constant 4.999990e+00 : f32
      %min3A_365 = vector.broadcast %min3A_364 : f32 to vector<16xf32>
      %min3A_366 = arith.minimumf %max3A_363, %min3A_365 : vector<16xf32>
      %convert_element_type3A_367 = arith.fptosi %min3A_366 : vector<16xf32> to vector<16xi32>
      %sub3A_368 = arith.constant 1 : i32
      %sub3A_369 = vector.broadcast %sub3A_368 : i32 to vector<16xi32>
      %sub3A_370 = arith.subi %convert_element_type3A_367, %sub3A_369 : vector<16xi32>
      %swap3A_371 = arith.index_cast %mul3A_357 : i32 to index
      %swap3A_372 = tpu.vector_load %arg11[%swap3A_371] {strides = array<i32>} : memref<10000xi32, #tpu.memory_space<vmem>>, vector<16xi32>,
      %swap3A_373 = vector.shape_cast %swap3A_372 : vector<16xi32> to vector<16xi32>
      %swap3A_374 = vector.shape_cast %sub3A_370 : vector<16xi32> to vector<16xi32>
      tpu.vector_store %arg11[%swap3A_371], %swap3A_374 {strides = array<i32>} : memref<10000xi32, #tpu.memory_space<vmem>>, vector<16xi32>,
      %mul3A_375 = arith.constant 25 : i32
      %mul3A_376 = arith.muli %scan3A_333, %mul3A_375 : i32
      %add3A_377 = arith.constant 2 : i32
      %add3A_378 = arith.addi %mul3A_376, %add3A_377 : i32
      %mul3A_379 = arith.constant 16 : i32
      %mul3A_380 = arith.muli %add3A_378, %mul3A_379 : i32
      %get3A_381 = arith.index_cast %mul3A_380 : i32 to index
      %get3A_382 = tpu.vector_load %arg10[%get3A_381] {strides = array<i32>} : memref<10000xf32, #tpu.memory_space<vmem>>, vector<16xf32>,
      %get3A_383 = vector.shape_cast %get3A_382 : vector<16xf32> to vector<16xf32>
      %max3A_384 = arith.constant 1.000000e+00 : f32
      %max3A_385 = vector.broadcast %max3A_384 : f32 to vector<16xf32>
      %max3A_386 = arith.maximumf %get3A_383, %max3A_385 : vector<16xf32>
      %min3A_387 = arith.constant 4.999990e+00 : f32
      %min3A_388 = vector.broadcast %min3A_387 : f32 to vector<16xf32>
      %min3A_389 = arith.minimumf %max3A_386, %min3A_388 : vector<16xf32>
      %convert_element_type3A_390 = arith.fptosi %min3A_389 : vector<16xf32> to vector<16xi32>
      %sub3A_391 = arith.constant 1 : i32
      %sub3A_392 = vector.broadcast %sub3A_391 : i32 to vector<16xi32>
      %sub3A_393 = arith.subi %convert_element_type3A_390, %sub3A_392 : vector<16xi32>
      %swap3A_394 = arith.index_cast %mul3A_380 : i32 to index
      %swap3A_395 = tpu.vector_load %arg11[%swap3A_394] {strides = array<i32>} : memref<10000xi32, #tpu.memory_space<vmem>>, vector<16xi32>,
      %swap3A_396 = vector.shape_cast %swap3A_395 : vector<16xi32> to vector<16xi32>
      %swap3A_397 = vector.shape_cast %sub3A_393 : vector<16xi32> to vector<16xi32>
      tpu.vector_store %arg11[%swap3A_394], %swap3A_397 {strides = array<i32>} : memref<10000xi32, #tpu.memory_space<vmem>>, vector<16xi32>,
      %mul3A_398 = arith.constant 25 : i32
      %mul3A_399 = arith.muli %scan3A_333, %mul3A_398 : i32
      %add3A_400 = arith.constant 3 : i32
      %add3A_401 = arith.addi %mul3A_399, %add3A_400 : i32
      %mul3A_402 = arith.constant 16 : i32
      %mul3A_403 = arith.muli %add3A_401, %mul3A_402 : i32
      %get3A_404 = arith.index_cast %mul3A_403 : i32 to index
      %get3A_405 = tpu.vector_load %arg10[%get3A_404] {strides = array<i32>} : memref<10000xf32, #tpu.memory_space<vmem>>, vector<16xf32>,
      %get3A_406 = vector.shape_cast %get3A_405 : vector<16xf32> to vector<16xf32>
      %max3A_407 = arith.constant 1.000000e+00 : f32
      %max3A_408 = vector.broadcast %max3A_407 : f32 to vector<16xf32>
      %max3A_409 = arith.maximumf %get3A_406, %max3A_408 : vector<16xf32>
      %min3A_410 = arith.constant 4.999990e+00 : f32
      %min3A_411 = vector.broadcast %min3A_410 : f32 to vector<16xf32>
      %min3A_412 = arith.minimumf %max3A_409, %min3A_411 : vector<16xf32>
      %convert_element_type3A_413 = arith.fptosi %min3A_412 : vector<16xf32> to vector<16xi32>
      %sub3A_414 = arith.constant 1 : i32
      %sub3A_415 = vector.broadcast %sub3A_414 : i32 to vector<16xi32>
      %sub3A_416 = arith.subi %convert_element_type3A_413, %sub3A_415 : vector<16xi32>
      %swap3A_417 = arith.index_cast %mul3A_403 : i32 to index
      %swap3A_418 = tpu.vector_load %arg11[%swap3A_417] {strides = array<i32>} : memref<10000xi32, #tpu.memory_space<vmem>>, vector<16xi32>,
      %swap3A_419 = vector.shape_cast %swap3A_418 : vector<16xi32> to vector<16xi32>
      %swap3A_420 = vector.shape_cast %sub3A_416 : vector<16xi32> to vector<16xi32>
      tpu.vector_store %arg11[%swap3A_417], %swap3A_420 {strides = array<i32>} : memref<10000xi32, #tpu.memory_space<vmem>>, vector<16xi32>,
      %mul3A_421 = arith.constant 25 : i32
      %mul3A_422 = arith.muli %scan3A_333, %mul3A_421 : i32
      %add3A_423 = arith.constant 4 : i32
      %add3A_424 = arith.addi %mul3A_422, %add3A_423 : i32
      %mul3A_425 = arith.constant 16 : i32
      %mul3A_426 = arith.muli %add3A_424, %mul3A_425 : i32
      %get3A_427 = arith.index_cast %mul3A_426 : i32 to index
      %get3A_428 = tpu.vector_load %arg10[%get3A_427] {strides = array<i32>} : memref<10000xf32, #tpu.memory_space<vmem>>, vector<16xf32>,
      %get3A_429 = vector.shape_cast %get3A_428 : vector<16xf32> to vector<16xf32>
      %max3A_430 = arith.constant 1.000000e+00 : f32
      %max3A_431 = vector.broadcast %max3A_430 : f32 to vector<16xf32>
      %max3A_432 = arith.maximumf %get3A_429, %max3A_431 : vector<16xf32>
      %min3A_433 = arith.constant 4.999990e+00 : f32
      %min3A_434 = vector.broadcast %min3A_433 : f32 to vector<16xf32>
      %min3A_435 = arith.minimumf %max3A_432, %min3A_434 : vector<16xf32>
      %convert_element_type3A_436 = arith.fptosi %min3A_435 : vector<16xf32> to vector<16xi32>
      %sub3A_437 = arith.constant 1 : i32
      %sub3A_438 = vector.broadcast %sub3A_437 : i32 to vector<16xi32>
      %sub3A_439 = arith.subi %convert_element_type3A_436, %sub3A_438 : vector<16xi32>
      %swap3A_440 = arith.index_cast %mul3A_426 : i32 to index
      %swap3A_441 = tpu.vector_load %arg11[%swap3A_440] {strides = array<i32>} : memref<10000xi32, #tpu.memory_space<vmem>>, vector<16xi32>,
      %swap3A_442 = vector.shape_cast %swap3A_441 : vector<16xi32> to vector<16xi32>
      %swap3A_443 = vector.shape_cast %sub3A_439 : vector<16xi32> to vector<16xi32>
      tpu.vector_store %arg11[%swap3A_440], %swap3A_443 {strides = array<i32>} : memref<10000xi32, #tpu.memory_space<vmem>>, vector<16xi32>,
      %mul3A_444 = arith.constant 25 : i32
      %mul3A_445 = arith.muli %scan3A_333, %mul3A_444 : i32
      %add3A_446 = arith.constant 5 : i32
      %add3A_447 = arith.addi %mul3A_445, %add3A_446 : i32
      %mul3A_448 = arith.constant 16 : i32
      %mul3A_449 = arith.muli %add3A_447, %mul3A_448 : i32
      %get3A_450 = arith.index_cast %mul3A_449 : i32 to index
      %get3A_451 = tpu.vector_load %arg10[%get3A_450] {strides = array<i32>} : memref<10000xf32, #tpu.memory_space<vmem>>, vector<16xf32>,
      %get3A_452 = vector.shape_cast %get3A_451 : vector<16xf32> to vector<16xf32>
      %max3A_453 = arith.constant 1.000000e+00 : f32
      %max3A_454 = vector.broadcast %max3A_453 : f32 to vector<16xf32>
      %max3A_455 = arith.maximumf %get3A_452, %max3A_454 : vector<16xf32>
      %min3A_456 = arith.constant 4.999990e+00 : f32
      %min3A_457 = vector.broadcast %min3A_456 : f32 to vector<16xf32>
      %min3A_458 = arith.minimumf %max3A_455, %min3A_457 : vector<16xf32>
      %convert_element_type3A_459 = arith.fptosi %min3A_458 : vector<16xf32> to vector<16xi32>
      %sub3A_460 = arith.constant 1 : i32
      %sub3A_461 = vector.broadcast %sub3A_460 : i32 to vector<16xi32>
      %sub3A_462 = arith.subi %convert_element_type3A_459, %sub3A_461 : vector<16xi32>
      %swap3A_463 = arith.index_cast %mul3A_449 : i32 to index
      %swap3A_464 = tpu.vector_load %arg11[%swap3A_463] {strides = array<i32>} : memref<10000xi32, #tpu.memory_space<vmem>>, vector<16xi32>,
      %swap3A_465 = vector.shape_cast %swap3A_464 : vector<16xi32> to vector<16xi32>
      %swap3A_466 = vector.shape_cast %sub3A_462 : vector<16xi32> to vector<16xi32>
      tpu.vector_store %arg11[%swap3A_463], %swap3A_466 {strides = array<i32>} : memref<10000xi32, #tpu.memory_space<vmem>>, vector<16xi32>,
      %mul3A_467 = arith.constant 25 : i32
      %mul3A_468 = arith.muli %scan3A_333, %mul3A_467 : i32
      %add3A_469 = arith.constant 6 : i32
      %add3A_470 = arith.addi %mul3A_468, %add3A_469 : i32
      %mul3A_471 = arith.constant 16 : i32
      %mul3A_472 = arith.muli %add3A_470, %mul3A_471 : i32
      %get3A_473 = arith.index_cast %mul3A_472 : i32 to index
      %get3A_474 = tpu.vector_load %arg10[%get3A_473] {strides = array<i32>} : memref<10000xf32, #tpu.memory_space<vmem>>, vector<16xf32>,
      %get3A_475 = vector.shape_cast %get3A_474 : vector<16xf32> to vector<16xf32>
      %max3A_476 = arith.constant 1.000000e+00 : f32
      %max3A_477 = vector.broadcast %max3A_476 : f32 to vector<16xf32>
      %max3A_478 = arith.maximumf %get3A_475, %max3A_477 : vector<16xf32>
      %min3A_479 = arith.constant 4.999990e+00 : f32
      %min3A_480 = vector.broadcast %min3A_479 : f32 to vector<16xf32>
      %min3A_481 = arith.minimumf %max3A_478, %min3A_480 : vector<16xf32>
      %convert_element_type3A_482 = arith.fptosi %min3A_481 : vector<16xf32> to vector<16xi32>
      %sub3A_483 = arith.constant 1 : i32
      %sub3A_484 = vector.broadcast %sub3A_483 : i32 to vector<16xi32>
      %sub3A_485 = arith.subi %convert_element_type3A_482, %sub3A_484 : vector<16xi32>
      %swap3A_486 = arith.index_cast %mul3A_472 : i32 to index
      %swap3A_487 = tpu.vector_load %arg11[%swap3A_486] {strides = array<i32>} : memref<10000xi32, #tpu.memory_space<vmem>>, vector<16xi32>,
      %swap3A_488 = vector.shape_cast %swap3A_487 : vector<16xi32> to vector<16xi32>
      %swap3A_489 = vector.shape_cast %sub3A_485 : vector<16xi32> to vector<16xi32>
      tpu.vector_store %arg11[%swap3A_486], %swap3A_489 {strides = array<i32>} : memref<10000xi32, #tpu.memory_space<vmem>>, vector<16xi32>,
      %mul3A_490 = arith.constant 25 : i32
      %mul3A_491 = arith.muli %scan3A_333, %mul3A_490 : i32
      %add3A_492 = arith.constant 7 : i32
      %add3A_493 = arith.addi %mul3A_491, %add3A_492 : i32
      %mul3A_494 = arith.constant 16 : i32
      %mul3A_495 = arith.muli %add3A_493, %mul3A_494 : i32
      %get3A_496 = arith.index_cast %mul3A_495 : i32 to index
      %get3A_497 = tpu.vector_load %arg10[%get3A_496] {strides = array<i32>} : memref<10000xf32, #tpu.memory_space<vmem>>, vector<16xf32>,
      %get3A_498 = vector.shape_cast %get3A_497 : vector<16xf32> to vector<16xf32>
      %max3A_499 = arith.constant 1.000000e+00 : f32
      %max3A_500 = vector.broadcast %max3A_499 : f32 to vector<16xf32>
      %max3A_501 = arith.maximumf %get3A_498, %max3A_500 : vector<16xf32>
      %min3A_502 = arith.constant 4.999990e+00 : f32
      %min3A_503 = vector.broadcast %min3A_502 : f32 to vector<16xf32>
      %min3A_504 = arith.minimumf %max3A_501, %min3A_503 : vector<16xf32>
      %convert_element_type3A_505 = arith.fptosi %min3A_504 : vector<16xf32> to vector<16xi32>
      %sub3A_506 = arith.constant 1 : i32
      %sub3A_507 = vector.broadcast %sub3A_506 : i32 to vector<16xi32>
      %sub3A_508 = arith.subi %convert_element_type3A_505, %sub3A_507 : vector<16xi32>
      %swap3A_509 = arith.index_cast %mul3A_495 : i32 to index
      %swap3A_510 = tpu.vector_load %arg11[%swap3A_509] {strides = array<i32>} : memref<10000xi32, #tpu.memory_space<vmem>>, vector<16xi32>,
      %swap3A_511 = vector.shape_cast %swap3A_510 : vector<16xi32> to vector<16xi32>
      %swap3A_512 = vector.shape_cast %sub3A_508 : vector<16xi32> to vector<16xi32>
      tpu.vector_store %arg11[%swap3A_509], %swap3A_512 {strides = array<i32>} : memref<10000xi32, #tpu.memory_space<vmem>>, vector<16xi32>,
      %mul3A_513 = arith.constant 25 : i32
      %mul3A_514 = arith.muli %scan3A_333, %mul3A_513 : i32
      %add3A_515 = arith.constant 8 : i32
      %add3A_516 = arith.addi %mul3A_514, %add3A_515 : i32
      %mul3A_517 = arith.constant 16 : i32
      %mul3A_518 = arith.muli %add3A_516, %mul3A_517 : i32
      %get3A_519 = arith.index_cast %mul3A_518 : i32 to index
      %get3A_520 = tpu.vector_load %arg10[%get3A_519] {strides = array<i32>} : memref<10000xf32, #tpu.memory_space<vmem>>, vector<16xf32>,
      %get3A_521 = vector.shape_cast %get3A_520 : vector<16xf32> to vector<16xf32>
      %max3A_522 = arith.constant 1.000000e+00 : f32
      %max3A_523 = vector.broadcast %max3A_522 : f32 to vector<16xf32>
      %max3A_524 = arith.maximumf %get3A_521, %max3A_523 : vector<16xf32>
      %min3A_525 = arith.constant 4.999990e+00 : f32
      %min3A_526 = vector.broadcast %min3A_525 : f32 to vector<16xf32>
      %min3A_527 = arith.minimumf %max3A_524, %min3A_526 : vector<16xf32>
      %convert_element_type3A_528 = arith.fptosi %min3A_527 : vector<16xf32> to vector<16xi32>
      %sub3A_529 = arith.constant 1 : i32
      %sub3A_530 = vector.broadcast %sub3A_529 : i32 to vector<16xi32>
      %sub3A_531 = arith.subi %convert_element_type3A_528, %sub3A_530 : vector<16xi32>
      %swap3A_532 = arith.index_cast %mul3A_518 : i32 to index
      %swap3A_533 = tpu.vector_load %arg11[%swap3A_532] {strides = array<i32>} : memref<10000xi32, #tpu.memory_space<vmem>>, vector<16xi32>,
      %swap3A_534 = vector.shape_cast %swap3A_533 : vector<16xi32> to vector<16xi32>
      %swap3A_535 = vector.shape_cast %sub3A_531 : vector<16xi32> to vector<16xi32>
      tpu.vector_store %arg11[%swap3A_532], %swap3A_535 {strides = array<i32>} : memref<10000xi32, #tpu.memory_space<vmem>>, vector<16xi32>,
      %mul3A_536 = arith.constant 25 : i32
      %mul3A_537 = arith.muli %scan3A_333, %mul3A_536 : i32
      %add3A_538 = arith.constant 9 : i32
      %add3A_539 = arith.addi %mul3A_537, %add3A_538 : i32
      %mul3A_540 = arith.constant 16 : i32
      %mul3A_541 = arith.muli %add3A_539, %mul3A_540 : i32
      %get3A_542 = arith.index_cast %mul3A_541 : i32 to index
      %get3A_543 = tpu.vector_load %arg10[%get3A_542] {strides = array<i32>} : memref<10000xf32, #tpu.memory_space<vmem>>, vector<16xf32>,
      %get3A_544 = vector.shape_cast %get3A_543 : vector<16xf32> to vector<16xf32>
      %max3A_545 = arith.constant 1.000000e+00 : f32
      %max3A_546 = vector.broadcast %max3A_545 : f32 to vector<16xf32>
      %max3A_547 = arith.maximumf %get3A_544, %max3A_546 : vector<16xf32>
      %min3A_548 = arith.constant 4.999990e+00 : f32
      %min3A_549 = vector.broadcast %min3A_548 : f32 to vector<16xf32>
      %min3A_550 = arith.minimumf %max3A_547, %min3A_549 : vector<16xf32>
      %convert_element_type3A_551 = arith.fptosi %min3A_550 : vector<16xf32> to vector<16xi32>
      %sub3A_552 = arith.constant 1 : i32
      %sub3A_553 = vector.broadcast %sub3A_552 : i32 to vector<16xi32>
      %sub3A_554 = arith.subi %convert_element_type3A_551, %sub3A_553 : vector<16xi32>
      %swap3A_555 = arith.index_cast %mul3A_541 : i32 to index
      %swap3A_556 = tpu.vector_load %arg11[%swap3A_555] {strides = array<i32>} : memref<10000xi32, #tpu.memory_space<vmem>>, vector<16xi32>,
      %swap3A_557 = vector.shape_cast %swap3A_556 : vector<16xi32> to vector<16xi32>
      %swap3A_558 = vector.shape_cast %sub3A_554 : vector<16xi32> to vector<16xi32>
      tpu.vector_store %arg11[%swap3A_555], %swap3A_558 {strides = array<i32>} : memref<10000xi32, #tpu.memory_space<vmem>>, vector<16xi32>,
      %mul3A_559 = arith.constant 25 : i32
      %mul3A_560 = arith.muli %scan3A_333, %mul3A_559 : i32
      %add3A_561 = arith.constant 10 : i32
      %add3A_562 = arith.addi %mul3A_560, %add3A_561 : i32
      %mul3A_563 = arith.constant 16 : i32
      %mul3A_564 = arith.muli %add3A_562, %mul3A_563 : i32
      %get3A_565 = arith.index_cast %mul3A_564 : i32 to index
      %get3A_566 = tpu.vector_load %arg10[%get3A_565] {strides = array<i32>} : memref<10000xf32, #tpu.memory_space<vmem>>, vector<16xf32>,
      %get3A_567 = vector.shape_cast %get3A_566 : vector<16xf32> to vector<16xf32>
      %max3A_568 = arith.constant 1.000000e+00 : f32
      %max3A_569 = vector.broadcast %max3A_568 : f32 to vector<16xf32>
      %max3A_570 = arith.maximumf %get3A_567, %max3A_569 : vector<16xf32>
      %min3A_571 = arith.constant 4.999990e+00 : f32
      %min3A_572 = vector.broadcast %min3A_571 : f32 to vector<16xf32>
      %min3A_573 = arith.minimumf %max3A_570, %min3A_572 : vector<16xf32>
      %convert_element_type3A_574 = arith.fptosi %min3A_573 : vector<16xf32> to vector<16xi32>
      %sub3A_575 = arith.constant 1 : i32
      %sub3A_576 = vector.broadcast %sub3A_575 : i32 to vector<16xi32>
      %sub3A_577 = arith.subi %convert_element_type3A_574, %sub3A_576 : vector<16xi32>
      %swap3A_578 = arith.index_cast %mul3A_564 : i32 to index
      %swap3A_579 = tpu.vector_load %arg11[%swap3A_578] {strides = array<i32>} : memref<10000xi32, #tpu.memory_space<vmem>>, vector<16xi32>,
      %swap3A_580 = vector.shape_cast %swap3A_579 : vector<16xi32> to vector<16xi32>
      %swap3A_581 = vector.shape_cast %sub3A_577 : vector<16xi32> to vector<16xi32>
      tpu.vector_store %arg11[%swap3A_578], %swap3A_581 {strides = array<i32>} : memref<10000xi32, #tpu.memory_space<vmem>>, vector<16xi32>,
      %mul3A_582 = arith.constant 25 : i32
      %mul3A_583 = arith.muli %scan3A_333, %mul3A_582 : i32
      %add3A_584 = arith.constant 11 : i32
      %add3A_585 = arith.addi %mul3A_583, %add3A_584 : i32
      %mul3A_586 = arith.constant 16 : i32
      %mul3A_587 = arith.muli %add3A_585, %mul3A_586 : i32
      %get3A_588 = arith.index_cast %mul3A_587 : i32 to index
      %get3A_589 = tpu.vector_load %arg10[%get3A_588] {strides = array<i32>} : memref<10000xf32, #tpu.memory_space<vmem>>, vector<16xf32>,
      %get3A_590 = vector.shape_cast %get3A_589 : vector<16xf32> to vector<16xf32>
      %max3A_591 = arith.constant 1.000000e+00 : f32
      %max3A_592 = vector.broadcast %max3A_591 : f32 to vector<16xf32>
      %max3A_593 = arith.maximumf %get3A_590, %max3A_592 : vector<16xf32>
      %min3A_594 = arith.constant 4.999990e+00 : f32
      %min3A_595 = vector.broadcast %min3A_594 : f32 to vector<16xf32>
      %min3A_596 = arith.minimumf %max3A_593, %min3A_595 : vector<16xf32>
      %convert_element_type3A_597 = arith.fptosi %min3A_596 : vector<16xf32> to vector<16xi32>
      %sub3A_598 = arith.constant 1 : i32
      %sub3A_599 = vector.broadcast %sub3A_598 : i32 to vector<16xi32>
      %sub3A_600 = arith.subi %convert_element_type3A_597, %sub3A_599 : vector<16xi32>
      %swap3A_601 = arith.index_cast %mul3A_587 : i32 to index
      %swap3A_602 = tpu.vector_load %arg11[%swap3A_601] {strides = array<i32>} : memref<10000xi32, #tpu.memory_space<vmem>>, vector<16xi32>,
      %swap3A_603 = vector.shape_cast %swap3A_602 : vector<16xi32> to vector<16xi32>
      %swap3A_604 = vector.shape_cast %sub3A_600 : vector<16xi32> to vector<16xi32>
      tpu.vector_store %arg11[%swap3A_601], %swap3A_604 {strides = array<i32>} : memref<10000xi32, #tpu.memory_space<vmem>>, vector<16xi32>,
      %mul3A_605 = arith.constant 25 : i32
      %mul3A_606 = arith.muli %scan3A_333, %mul3A_605 : i32
      %add3A_607 = arith.constant 12 : i32
      %add3A_608 = arith.addi %mul3A_606, %add3A_607 : i32
      %mul3A_609 = arith.constant 16 : i32
      %mul3A_610 = arith.muli %add3A_608, %mul3A_609 : i32
      %get3A_611 = arith.index_cast %mul3A_610 : i32 to index
      %get3A_612 = tpu.vector_load %arg10[%get3A_611] {strides = array<i32>} : memref<10000xf32, #tpu.memory_space<vmem>>, vector<16xf32>,
      %get3A_613 = vector.shape_cast %get3A_612 : vector<16xf32> to vector<16xf32>
      %max3A_614 = arith.constant 1.000000e+00 : f32
      %max3A_615 = vector.broadcast %max3A_614 : f32 to vector<16xf32>
      %max3A_616 = arith.maximumf %get3A_613, %max3A_615 : vector<16xf32>
      %min3A_617 = arith.constant 4.999990e+00 : f32
      %min3A_618 = vector.broadcast %min3A_617 : f32 to vector<16xf32>
      %min3A_619 = arith.minimumf %max3A_616, %min3A_618 : vector<16xf32>
      %convert_element_type3A_620 = arith.fptosi %min3A_619 : vector<16xf32> to vector<16xi32>
      %sub3A_621 = arith.constant 1 : i32
      %sub3A_622 = vector.broadcast %sub3A_621 : i32 to vector<16xi32>
      %sub3A_623 = arith.subi %convert_element_type3A_620, %sub3A_622 : vector<16xi32>
      %swap3A_624 = arith.index_cast %mul3A_610 : i32 to index
      %swap3A_625 = tpu.vector_load %arg11[%swap3A_624] {strides = array<i32>} : memref<10000xi32, #tpu.memory_space<vmem>>, vector<16xi32>,
      %swap3A_626 = vector.shape_cast %swap3A_625 : vector<16xi32> to vector<16xi32>
      %swap3A_627 = vector.shape_cast %sub3A_623 : vector<16xi32> to vector<16xi32>
      tpu.vector_store %arg11[%swap3A_624], %swap3A_627 {strides = array<i32>} : memref<10000xi32, #tpu.memory_space<vmem>>, vector<16xi32>,
      %mul3A_628 = arith.constant 25 : i32
      %mul3A_629 = arith.muli %scan3A_333, %mul3A_628 : i32
      %add3A_630 = arith.constant 13 : i32
      %add3A_631 = arith.addi %mul3A_629, %add3A_630 : i32
      %mul3A_632 = arith.constant 16 : i32
      %mul3A_633 = arith.muli %add3A_631, %mul3A_632 : i32
      %get3A_634 = arith.index_cast %mul3A_633 : i32 to index
      %get3A_635 = tpu.vector_load %arg10[%get3A_634] {strides = array<i32>} : memref<10000xf32, #tpu.memory_space<vmem>>, vector<16xf32>,
      %get3A_636 = vector.shape_cast %get3A_635 : vector<16xf32> to vector<16xf32>
      %max3A_637 = arith.constant 1.000000e+00 : f32
      %max3A_638 = vector.broadcast %max3A_637 : f32 to vector<16xf32>
      %max3A_639 = arith.maximumf %get3A_636, %max3A_638 : vector<16xf32>
      %min3A_640 = arith.constant 4.999990e+00 : f32
      %min3A_641 = vector.broadcast %min3A_640 : f32 to vector<16xf32>
      %min3A_642 = arith.minimumf %max3A_639, %min3A_641 : vector<16xf32>
      %convert_element_type3A_643 = arith.fptosi %min3A_642 : vector<16xf32> to vector<16xi32>
      %sub3A_644 = arith.constant 1 : i32
      %sub3A_645 = vector.broadcast %sub3A_644 : i32 to vector<16xi32>
      %sub3A_646 = arith.subi %convert_element_type3A_643, %sub3A_645 : vector<16xi32>
      %swap3A_647 = arith.index_cast %mul3A_633 : i32 to index
      %swap3A_648 = tpu.vector_load %arg11[%swap3A_647] {strides = array<i32>} : memref<10000xi32, #tpu.memory_space<vmem>>, vector<16xi32>,
      %swap3A_649 = vector.shape_cast %swap3A_648 : vector<16xi32> to vector<16xi32>
      %swap3A_650 = vector.shape_cast %sub3A_646 : vector<16xi32> to vector<16xi32>
      tpu.vector_store %arg11[%swap3A_647], %swap3A_650 {strides = array<i32>} : memref<10000xi32, #tpu.memory_space<vmem>>, vector<16xi32>,
      %mul3A_651 = arith.constant 25 : i32
      %mul3A_652 = arith.muli %scan3A_333, %mul3A_651 : i32
      %add3A_653 = arith.constant 14 : i32
      %add3A_654 = arith.addi %mul3A_652, %add3A_653 : i32
      %mul3A_655 = arith.constant 16 : i32
      %mul3A_656 = arith.muli %add3A_654, %mul3A_655 : i32
      %get3A_657 = arith.index_cast %mul3A_656 : i32 to index
      %get3A_658 = tpu.vector_load %arg10[%get3A_657] {strides = array<i32>} : memref<10000xf32, #tpu.memory_space<vmem>>, vector<16xf32>,
      %get3A_659 = vector.shape_cast %get3A_658 : vector<16xf32> to vector<16xf32>
      %max3A_660 = arith.constant 1.000000e+00 : f32
      %max3A_661 = vector.broadcast %max3A_660 : f32 to vector<16xf32>
      %max3A_662 = arith.maximumf %get3A_659, %max3A_661 : vector<16xf32>
      %min3A_663 = arith.constant 4.999990e+00 : f32
      %min3A_664 = vector.broadcast %min3A_663 : f32 to vector<16xf32>
      %min3A_665 = arith.minimumf %max3A_662, %min3A_664 : vector<16xf32>
      %convert_element_type3A_666 = arith.fptosi %min3A_665 : vector<16xf32> to vector<16xi32>
      %sub3A_667 = arith.constant 1 : i32
      %sub3A_668 = vector.broadcast %sub3A_667 : i32 to vector<16xi32>
      %sub3A_669 = arith.subi %convert_element_type3A_666, %sub3A_668 : vector<16xi32>
      %swap3A_670 = arith.index_cast %mul3A_656 : i32 to index
      %swap3A_671 = tpu.vector_load %arg11[%swap3A_670] {strides = array<i32>} : memref<10000xi32, #tpu.memory_space<vmem>>, vector<16xi32>,
      %swap3A_672 = vector.shape_cast %swap3A_671 : vector<16xi32> to vector<16xi32>
      %swap3A_673 = vector.shape_cast %sub3A_669 : vector<16xi32> to vector<16xi32>
      tpu.vector_store %arg11[%swap3A_670], %swap3A_673 {strides = array<i32>} : memref<10000xi32, #tpu.memory_space<vmem>>, vector<16xi32>,
      %mul3A_674 = arith.constant 25 : i32
      %mul3A_675 = arith.muli %scan3A_333, %mul3A_674 : i32
      %add3A_676 = arith.constant 15 : i32
      %add3A_677 = arith.addi %mul3A_675, %add3A_676 : i32
      %mul3A_678 = arith.constant 16 : i32
      %mul3A_679 = arith.muli %add3A_677, %mul3A_678 : i32
      %get3A_680 = arith.index_cast %mul3A_679 : i32 to index
      %get3A_681 = tpu.vector_load %arg10[%get3A_680] {strides = array<i32>} : memref<10000xf32, #tpu.memory_space<vmem>>, vector<16xf32>,
      %get3A_682 = vector.shape_cast %get3A_681 : vector<16xf32> to vector<16xf32>
      %max3A_683 = arith.constant 1.000000e+00 : f32
      %max3A_684 = vector.broadcast %max3A_683 : f32 to vector<16xf32>
      %max3A_685 = arith.maximumf %get3A_682, %max3A_684 : vector<16xf32>
      %min3A_686 = arith.constant 4.999990e+00 : f32
      %min3A_687 = vector.broadcast %min3A_686 : f32 to vector<16xf32>
      %min3A_688 = arith.minimumf %max3A_685, %min3A_687 : vector<16xf32>
      %convert_element_type3A_689 = arith.fptosi %min3A_688 : vector<16xf32> to vector<16xi32>
      %sub3A_690 = arith.constant 1 : i32
      %sub3A_691 = vector.broadcast %sub3A_690 : i32 to vector<16xi32>
      %sub3A_692 = arith.subi %convert_element_type3A_689, %sub3A_691 : vector<16xi32>
      %swap3A_693 = arith.index_cast %mul3A_679 : i32 to index
      %swap3A_694 = tpu.vector_load %arg11[%swap3A_693] {strides = array<i32>} : memref<10000xi32, #tpu.memory_space<vmem>>, vector<16xi32>,
      %swap3A_695 = vector.shape_cast %swap3A_694 : vector<16xi32> to vector<16xi32>
      %swap3A_696 = vector.shape_cast %sub3A_692 : vector<16xi32> to vector<16xi32>
      tpu.vector_store %arg11[%swap3A_693], %swap3A_696 {strides = array<i32>} : memref<10000xi32, #tpu.memory_space<vmem>>, vector<16xi32>,
      %mul3A_697 = arith.constant 25 : i32
      %mul3A_698 = arith.muli %scan3A_333, %mul3A_697 : i32
      %add3A_699 = arith.constant 16 : i32
      %add3A_700 = arith.addi %mul3A_698, %add3A_699 : i32
      %mul3A_701 = arith.constant 16 : i32
      %mul3A_702 = arith.muli %add3A_700, %mul3A_701 : i32
      %get3A_703 = arith.index_cast %mul3A_702 : i32 to index
      %get3A_704 = tpu.vector_load %arg10[%get3A_703] {strides = array<i32>} : memref<10000xf32, #tpu.memory_space<vmem>>, vector<16xf32>,
      %get3A_705 = vector.shape_cast %get3A_704 : vector<16xf32> to vector<16xf32>
      %max3A_706 = arith.constant 1.000000e+00 : f32
      %max3A_707 = vector.broadcast %max3A_706 : f32 to vector<16xf32>
      %max3A_708 = arith.maximumf %get3A_705, %max3A_707 : vector<16xf32>
      %min3A_709 = arith.constant 4.999990e+00 : f32
      %min3A_710 = vector.broadcast %min3A_709 : f32 to vector<16xf32>
      %min3A_711 = arith.minimumf %max3A_708, %min3A_710 : vector<16xf32>
      %convert_element_type3A_712 = arith.fptosi %min3A_711 : vector<16xf32> to vector<16xi32>
      %sub3A_713 = arith.constant 1 : i32
      %sub3A_714 = vector.broadcast %sub3A_713 : i32 to vector<16xi32>
      %sub3A_715 = arith.subi %convert_element_type3A_712, %sub3A_714 : vector<16xi32>
      %swap3A_716 = arith.index_cast %mul3A_702 : i32 to index
      %swap3A_717 = tpu.vector_load %arg11[%swap3A_716] {strides = array<i32>} : memref<10000xi32, #tpu.memory_space<vmem>>, vector<16xi32>,
      %swap3A_718 = vector.shape_cast %swap3A_717 : vector<16xi32> to vector<16xi32>
      %swap3A_719 = vector.shape_cast %sub3A_715 : vector<16xi32> to vector<16xi32>
      tpu.vector_store %arg11[%swap3A_716], %swap3A_719 {strides = array<i32>} : memref<10000xi32, #tpu.memory_space<vmem>>, vector<16xi32>,
      %mul3A_720 = arith.constant 25 : i32
      %mul3A_721 = arith.muli %scan3A_333, %mul3A_720 : i32
      %add3A_722 = arith.constant 17 : i32
      %add3A_723 = arith.addi %mul3A_721, %add3A_722 : i32
      %mul3A_724 = arith.constant 16 : i32
      %mul3A_725 = arith.muli %add3A_723, %mul3A_724 : i32
      %get3A_726 = arith.index_cast %mul3A_725 : i32 to index
      %get3A_727 = tpu.vector_load %arg10[%get3A_726] {strides = array<i32>} : memref<10000xf32, #tpu.memory_space<vmem>>, vector<16xf32>,
      %get3A_728 = vector.shape_cast %get3A_727 : vector<16xf32> to vector<16xf32>
      %max3A_729 = arith.constant 1.000000e+00 : f32
      %max3A_730 = vector.broadcast %max3A_729 : f32 to vector<16xf32>
      %max3A_731 = arith.maximumf %get3A_728, %max3A_730 : vector<16xf32>
      %min3A_732 = arith.constant 4.999990e+00 : f32
      %min3A_733 = vector.broadcast %min3A_732 : f32 to vector<16xf32>
      %min3A_734 = arith.minimumf %max3A_731, %min3A_733 : vector<16xf32>
      %convert_element_type3A_735 = arith.fptosi %min3A_734 : vector<16xf32> to vector<16xi32>
      %sub3A_736 = arith.constant 1 : i32
      %sub3A_737 = vector.broadcast %sub3A_736 : i32 to vector<16xi32>
      %sub3A_738 = arith.subi %convert_element_type3A_735, %sub3A_737 : vector<16xi32>
      %swap3A_739 = arith.index_cast %mul3A_725 : i32 to index
      %swap3A_740 = tpu.vector_load %arg11[%swap3A_739] {strides = array<i32>} : memref<10000xi32, #tpu.memory_space<vmem>>, vector<16xi32>,
      %swap3A_741 = vector.shape_cast %swap3A_740 : vector<16xi32> to vector<16xi32>
      %swap3A_742 = vector.shape_cast %sub3A_738 : vector<16xi32> to vector<16xi32>
      tpu.vector_store %arg11[%swap3A_739], %swap3A_742 {strides = array<i32>} : memref<10000xi32, #tpu.memory_space<vmem>>, vector<16xi32>,
      %mul3A_743 = arith.constant 25 : i32
      %mul3A_744 = arith.muli %scan3A_333, %mul3A_743 : i32
      %add3A_745 = arith.constant 18 : i32
      %add3A_746 = arith.addi %mul3A_744, %add3A_745 : i32
      %mul3A_747 = arith.constant 16 : i32
      %mul3A_748 = arith.muli %add3A_746, %mul3A_747 : i32
      %get3A_749 = arith.index_cast %mul3A_748 : i32 to index
      %get3A_750 = tpu.vector_load %arg10[%get3A_749] {strides = array<i32>} : memref<10000xf32, #tpu.memory_space<vmem>>, vector<16xf32>,
      %get3A_751 = vector.shape_cast %get3A_750 : vector<16xf32> to vector<16xf32>
      %max3A_752 = arith.constant 1.000000e+00 : f32
      %max3A_753 = vector.broadcast %max3A_752 : f32 to vector<16xf32>
      %max3A_754 = arith.maximumf %get3A_751, %max3A_753 : vector<16xf32>
      %min3A_755 = arith.constant 4.999990e+00 : f32
      %min3A_756 = vector.broadcast %min3A_755 : f32 to vector<16xf32>
      %min3A_757 = arith.minimumf %max3A_754, %min3A_756 : vector<16xf32>
      %convert_element_type3A_758 = arith.fptosi %min3A_757 : vector<16xf32> to vector<16xi32>
      %sub3A_759 = arith.constant 1 : i32
      %sub3A_760 = vector.broadcast %sub3A_759 : i32 to vector<16xi32>
      %sub3A_761 = arith.subi %convert_element_type3A_758, %sub3A_760 : vector<16xi32>
      %swap3A_762 = arith.index_cast %mul3A_748 : i32 to index
      %swap3A_763 = tpu.vector_load %arg11[%swap3A_762] {strides = array<i32>} : memref<10000xi32, #tpu.memory_space<vmem>>, vector<16xi32>,
      %swap3A_764 = vector.shape_cast %swap3A_763 : vector<16xi32> to vector<16xi32>
      %swap3A_765 = vector.shape_cast %sub3A_761 : vector<16xi32> to vector<16xi32>
      tpu.vector_store %arg11[%swap3A_762], %swap3A_765 {strides = array<i32>} : memref<10000xi32, #tpu.memory_space<vmem>>, vector<16xi32>,
      %mul3A_766 = arith.constant 25 : i32
      %mul3A_767 = arith.muli %scan3A_333, %mul3A_766 : i32
      %add3A_768 = arith.constant 19 : i32
      %add3A_769 = arith.addi %mul3A_767, %add3A_768 : i32
      %mul3A_770 = arith.constant 16 : i32
      %mul3A_771 = arith.muli %add3A_769, %mul3A_770 : i32
      %get3A_772 = arith.index_cast %mul3A_771 : i32 to index
      %get3A_773 = tpu.vector_load %arg10[%get3A_772] {strides = array<i32>} : memref<10000xf32, #tpu.memory_space<vmem>>, vector<16xf32>,
      %get3A_774 = vector.shape_cast %get3A_773 : vector<16xf32> to vector<16xf32>
      %max3A_775 = arith.constant 1.000000e+00 : f32
      %max3A_776 = vector.broadcast %max3A_775 : f32 to vector<16xf32>
      %max3A_777 = arith.maximumf %get3A_774, %max3A_776 : vector<16xf32>
      %min3A_778 = arith.constant 4.999990e+00 : f32
      %min3A_779 = vector.broadcast %min3A_778 : f32 to vector<16xf32>
      %min3A_780 = arith.minimumf %max3A_777, %min3A_779 : vector<16xf32>
      %convert_element_type3A_781 = arith.fptosi %min3A_780 : vector<16xf32> to vector<16xi32>
      %sub3A_782 = arith.constant 1 : i32
      %sub3A_783 = vector.broadcast %sub3A_782 : i32 to vector<16xi32>
      %sub3A_784 = arith.subi %convert_element_type3A_781, %sub3A_783 : vector<16xi32>
      %swap3A_785 = arith.index_cast %mul3A_771 : i32 to index
      %swap3A_786 = tpu.vector_load %arg11[%swap3A_785] {strides = array<i32>} : memref<10000xi32, #tpu.memory_space<vmem>>, vector<16xi32>,
      %swap3A_787 = vector.shape_cast %swap3A_786 : vector<16xi32> to vector<16xi32>
      %swap3A_788 = vector.shape_cast %sub3A_784 : vector<16xi32> to vector<16xi32>
      tpu.vector_store %arg11[%swap3A_785], %swap3A_788 {strides = array<i32>} : memref<10000xi32, #tpu.memory_space<vmem>>, vector<16xi32>,
      %mul3A_789 = arith.constant 25 : i32
      %mul3A_790 = arith.muli %scan3A_333, %mul3A_789 : i32
      %add3A_791 = arith.constant 20 : i32
      %add3A_792 = arith.addi %mul3A_790, %add3A_791 : i32
      %mul3A_793 = arith.constant 16 : i32
      %mul3A_794 = arith.muli %add3A_792, %mul3A_793 : i32
      %get3A_795 = arith.index_cast %mul3A_794 : i32 to index
      %get3A_796 = tpu.vector_load %arg10[%get3A_795] {strides = array<i32>} : memref<10000xf32, #tpu.memory_space<vmem>>, vector<16xf32>,
      %get3A_797 = vector.shape_cast %get3A_796 : vector<16xf32> to vector<16xf32>
      %max3A_798 = arith.constant 1.000000e+00 : f32
      %max3A_799 = vector.broadcast %max3A_798 : f32 to vector<16xf32>
      %max3A_800 = arith.maximumf %get3A_797, %max3A_799 : vector<16xf32>
      %min3A_801 = arith.constant 4.999990e+00 : f32
      %min3A_802 = vector.broadcast %min3A_801 : f32 to vector<16xf32>
      %min3A_803 = arith.minimumf %max3A_800, %min3A_802 : vector<16xf32>
      %convert_element_type3A_804 = arith.fptosi %min3A_803 : vector<16xf32> to vector<16xi32>
      %sub3A_805 = arith.constant 1 : i32
      %sub3A_806 = vector.broadcast %sub3A_805 : i32 to vector<16xi32>
      %sub3A_807 = arith.subi %convert_element_type3A_804, %sub3A_806 : vector<16xi32>
      %swap3A_808 = arith.index_cast %mul3A_794 : i32 to index
      %swap3A_809 = tpu.vector_load %arg11[%swap3A_808] {strides = array<i32>} : memref<10000xi32, #tpu.memory_space<vmem>>, vector<16xi32>,
      %swap3A_810 = vector.shape_cast %swap3A_809 : vector<16xi32> to vector<16xi32>
      %swap3A_811 = vector.shape_cast %sub3A_807 : vector<16xi32> to vector<16xi32>
      tpu.vector_store %arg11[%swap3A_808], %swap3A_811 {strides = array<i32>} : memref<10000xi32, #tpu.memory_space<vmem>>, vector<16xi32>,
      %mul3A_812 = arith.constant 25 : i32
      %mul3A_813 = arith.muli %scan3A_333, %mul3A_812 : i32
      %add3A_814 = arith.constant 21 : i32
      %add3A_815 = arith.addi %mul3A_813, %add3A_814 : i32
      %mul3A_816 = arith.constant 16 : i32
      %mul3A_817 = arith.muli %add3A_815, %mul3A_816 : i32
      %get3A_818 = arith.index_cast %mul3A_817 : i32 to index
      %get3A_819 = tpu.vector_load %arg10[%get3A_818] {strides = array<i32>} : memref<10000xf32, #tpu.memory_space<vmem>>, vector<16xf32>,
      %get3A_820 = vector.shape_cast %get3A_819 : vector<16xf32> to vector<16xf32>
      %max3A_821 = arith.constant 1.000000e+00 : f32
      %max3A_822 = vector.broadcast %max3A_821 : f32 to vector<16xf32>
      %max3A_823 = arith.maximumf %get3A_820, %max3A_822 : vector<16xf32>
      %min3A_824 = arith.constant 4.999990e+00 : f32
      %min3A_825 = vector.broadcast %min3A_824 : f32 to vector<16xf32>
      %min3A_826 = arith.minimumf %max3A_823, %min3A_825 : vector<16xf32>
      %convert_element_type3A_827 = arith.fptosi %min3A_826 : vector<16xf32> to vector<16xi32>
      %sub3A_828 = arith.constant 1 : i32
      %sub3A_829 = vector.broadcast %sub3A_828 : i32 to vector<16xi32>
      %sub3A_830 = arith.subi %convert_element_type3A_827, %sub3A_829 : vector<16xi32>
      %swap3A_831 = arith.index_cast %mul3A_817 : i32 to index
      %swap3A_832 = tpu.vector_load %arg11[%swap3A_831] {strides = array<i32>} : memref<10000xi32, #tpu.memory_space<vmem>>, vector<16xi32>,
      %swap3A_833 = vector.shape_cast %swap3A_832 : vector<16xi32> to vector<16xi32>
      %swap3A_834 = vector.shape_cast %sub3A_830 : vector<16xi32> to vector<16xi32>
      tpu.vector_store %arg11[%swap3A_831], %swap3A_834 {strides = array<i32>} : memref<10000xi32, #tpu.memory_space<vmem>>, vector<16xi32>,
      %mul3A_835 = arith.constant 25 : i32
      %mul3A_836 = arith.muli %scan3A_333, %mul3A_835 : i32
      %add3A_837 = arith.constant 22 : i32
      %add3A_838 = arith.addi %mul3A_836, %add3A_837 : i32
      %mul3A_839 = arith.constant 16 : i32
      %mul3A_840 = arith.muli %add3A_838, %mul3A_839 : i32
      %get3A_841 = arith.index_cast %mul3A_840 : i32 to index
      %get3A_842 = tpu.vector_load %arg10[%get3A_841] {strides = array<i32>} : memref<10000xf32, #tpu.memory_space<vmem>>, vector<16xf32>,
      %get3A_843 = vector.shape_cast %get3A_842 : vector<16xf32> to vector<16xf32>
      %max3A_844 = arith.constant 1.000000e+00 : f32
      %max3A_845 = vector.broadcast %max3A_844 : f32 to vector<16xf32>
      %max3A_846 = arith.maximumf %get3A_843, %max3A_845 : vector<16xf32>
      %min3A_847 = arith.constant 4.999990e+00 : f32
      %min3A_848 = vector.broadcast %min3A_847 : f32 to vector<16xf32>
      %min3A_849 = arith.minimumf %max3A_846, %min3A_848 : vector<16xf32>
      %convert_element_type3A_850 = arith.fptosi %min3A_849 : vector<16xf32> to vector<16xi32>
      %sub3A_851 = arith.constant 1 : i32
      %sub3A_852 = vector.broadcast %sub3A_851 : i32 to vector<16xi32>
      %sub3A_853 = arith.subi %convert_element_type3A_850, %sub3A_852 : vector<16xi32>
      %swap3A_854 = arith.index_cast %mul3A_840 : i32 to index
      %swap3A_855 = tpu.vector_load %arg11[%swap3A_854] {strides = array<i32>} : memref<10000xi32, #tpu.memory_space<vmem>>, vector<16xi32>,
      %swap3A_856 = vector.shape_cast %swap3A_855 : vector<16xi32> to vector<16xi32>
      %swap3A_857 = vector.shape_cast %sub3A_853 : vector<16xi32> to vector<16xi32>
      tpu.vector_store %arg11[%swap3A_854], %swap3A_857 {strides = array<i32>} : memref<10000xi32, #tpu.memory_space<vmem>>, vector<16xi32>,
      %mul3A_858 = arith.constant 25 : i32
      %mul3A_859 = arith.muli %scan3A_333, %mul3A_858 : i32
      %add3A_860 = arith.constant 23 : i32
      %add3A_861 = arith.addi %mul3A_859, %add3A_860 : i32
      %mul3A_862 = arith.constant 16 : i32
      %mul3A_863 = arith.muli %add3A_861, %mul3A_862 : i32
      %get3A_864 = arith.index_cast %mul3A_863 : i32 to index
      %get3A_865 = tpu.vector_load %arg10[%get3A_864] {strides = array<i32>} : memref<10000xf32, #tpu.memory_space<vmem>>, vector<16xf32>,
      %get3A_866 = vector.shape_cast %get3A_865 : vector<16xf32> to vector<16xf32>
      %max3A_867 = arith.constant 1.000000e+00 : f32
      %max3A_868 = vector.broadcast %max3A_867 : f32 to vector<16xf32>
      %max3A_869 = arith.maximumf %get3A_866, %max3A_868 : vector<16xf32>
      %min3A_870 = arith.constant 4.999990e+00 : f32
      %min3A_871 = vector.broadcast %min3A_870 : f32 to vector<16xf32>
      %min3A_872 = arith.minimumf %max3A_869, %min3A_871 : vector<16xf32>
      %convert_element_type3A_873 = arith.fptosi %min3A_872 : vector<16xf32> to vector<16xi32>
      %sub3A_874 = arith.constant 1 : i32
      %sub3A_875 = vector.broadcast %sub3A_874 : i32 to vector<16xi32>
      %sub3A_876 = arith.subi %convert_element_type3A_873, %sub3A_875 : vector<16xi32>
      %swap3A_877 = arith.index_cast %mul3A_863 : i32 to index
      %swap3A_878 = tpu.vector_load %arg11[%swap3A_877] {strides = array<i32>} : memref<10000xi32, #tpu.memory_space<vmem>>, vector<16xi32>,
      %swap3A_879 = vector.shape_cast %swap3A_878 : vector<16xi32> to vector<16xi32>
      %swap3A_880 = vector.shape_cast %sub3A_876 : vector<16xi32> to vector<16xi32>
      tpu.vector_store %arg11[%swap3A_877], %swap3A_880 {strides = array<i32>} : memref<10000xi32, #tpu.memory_space<vmem>>, vector<16xi32>,
      %mul3A_881 = arith.constant 25 : i32
      %mul3A_882 = arith.muli %scan3A_333, %mul3A_881 : i32
      %add3A_883 = arith.constant 24 : i32
      %add3A_884 = arith.addi %mul3A_882, %add3A_883 : i32
      %mul3A_885 = arith.constant 16 : i32
      %mul3A_886 = arith.muli %add3A_884, %mul3A_885 : i32
      %get3A_887 = arith.index_cast %mul3A_886 : i32 to index
      %get3A_888 = tpu.vector_load %arg10[%get3A_887] {strides = array<i32>} : memref<10000xf32, #tpu.memory_space<vmem>>, vector<16xf32>,
      %get3A_889 = vector.shape_cast %get3A_888 : vector<16xf32> to vector<16xf32>
      %max3A_890 = arith.constant 1.000000e+00 : f32
      %max3A_891 = vector.broadcast %max3A_890 : f32 to vector<16xf32>
      %max3A_892 = arith.maximumf %get3A_889, %max3A_891 : vector<16xf32>
      %min3A_893 = arith.constant 4.999990e+00 : f32
      %min3A_894 = vector.broadcast %min3A_893 : f32 to vector<16xf32>
      %min3A_895 = arith.minimumf %max3A_892, %min3A_894 : vector<16xf32>
      %convert_element_type3A_896 = arith.fptosi %min3A_895 : vector<16xf32> to vector<16xi32>
      %sub3A_897 = arith.constant 1 : i32
      %sub3A_898 = vector.broadcast %sub3A_897 : i32 to vector<16xi32>
      %sub3A_899 = arith.subi %convert_element_type3A_896, %sub3A_898 : vector<16xi32>
      %swap3A_900 = arith.index_cast %mul3A_886 : i32 to index
      %swap3A_901 = tpu.vector_load %arg11[%swap3A_900] {strides = array<i32>} : memref<10000xi32, #tpu.memory_space<vmem>>, vector<16xi32>,
      %swap3A_902 = vector.shape_cast %swap3A_901 : vector<16xi32> to vector<16xi32>
      %swap3A_903 = vector.shape_cast %sub3A_899 : vector<16xi32> to vector<16xi32>
      tpu.vector_store %arg11[%swap3A_900], %swap3A_903 {strides = array<i32>} : memref<10000xi32, #tpu.memory_space<vmem>>, vector<16xi32>,
    }
    %scan3A_14 = arith.constant 25 : i32
    %dma_start3A = arith.constant 0 : i32
    %dma_start3A_15 = tpu.memref_slice %arg11[%dma_start3A] : memref<10000xi32, #tpu.memory_space<vmem>> -> memref<80xi32, #tpu.memory_space<vmem>>
    %dma_start3A_16 = arith.constant 0 : i32
    %dma_start3A_17 = arith.constant 0 : i32
    %dma_start3A_18 = tpu.memref_slice %arg13[%dma_start3A_16, %dma_start3A_17] : memref<4x128xf32, #tpu.memory_space<vmem_shared>> -> memref<4x128xf32, #tpu.memory_space<vmem_shared>>
    tpu.enqueue_indirect_dma source(%dma_start3A_18 : memref<4x128xf32, #tpu.memory_space<vmem_shared>>) target(%arg15 : memref<80x128xf32, #tpu.memory_space<vmem>>) offsets(%dma_start3A_15 : memref<80xi32, #tpu.memory_space<vmem>>) semaphore(%arg20 : memref<!tpu.dma_semaphore, #tpu.memory_space<semaphore_mem>>)
    %dma_start3A_19 = arith.constant 80 : i32
    %dma_start3A_20 = tpu.memref_slice %arg11[%dma_start3A_19] : memref<10000xi32, #tpu.memory_space<vmem>> -> memref<80xi32, #tpu.memory_space<vmem>>
    %dma_start3A_21 = arith.constant 0 : i32
    %dma_start3A_22 = arith.constant 0 : i32
    %dma_start3A_23 = tpu.memref_slice %arg13[%dma_start3A_21, %dma_start3A_22] : memref<4x128xf32, #tpu.memory_space<vmem_shared>> -> memref<4x128xf32, #tpu.memory_space<vmem_shared>>
    tpu.enqueue_indirect_dma source(%dma_start3A_23 : memref<4x128xf32, #tpu.memory_space<vmem_shared>>) target(%arg16 : memref<80x128xf32, #tpu.memory_space<vmem>>) offsets(%dma_start3A_20 : memref<80xi32, #tpu.memory_space<vmem>>) semaphore(%arg21 : memref<!tpu.dma_semaphore, #tpu.memory_space<semaphore_mem>>)
    %dma_start3A_24 = arith.constant 160 : i32
    %dma_start3A_25 = tpu.memref_slice %arg11[%dma_start3A_24] : memref<10000xi32, #tpu.memory_space<vmem>> -> memref<80xi32, #tpu.memory_space<vmem>>
    %dma_start3A_26 = arith.constant 0 : i32
    %dma_start3A_27 = arith.constant 0 : i32
    %dma_start3A_28 = tpu.memref_slice %arg13[%dma_start3A_26, %dma_start3A_27] : memref<4x128xf32, #tpu.memory_space<vmem_shared>> -> memref<4x128xf32, #tpu.memory_space<vmem_shared>>
    tpu.enqueue_indirect_dma source(%dma_start3A_28 : memref<4x128xf32, #tpu.memory_space<vmem_shared>>) target(%arg17 : memref<80x128xf32, #tpu.memory_space<vmem>>) offsets(%dma_start3A_25 : memref<80xi32, #tpu.memory_space<vmem>>) semaphore(%arg22 : memref<!tpu.dma_semaphore, #tpu.memory_space<semaphore_mem>>)
    %dma_start3A_29 = arith.constant 240 : i32
    %dma_start3A_30 = tpu.memref_slice %arg11[%dma_start3A_29] : memref<10000xi32, #tpu.memory_space<vmem>> -> memref<80xi32, #tpu.memory_space<vmem>>
    %dma_start3A_31 = arith.constant 0 : i32
    %dma_start3A_32 = arith.constant 0 : i32
    %dma_start3A_33 = tpu.memref_slice %arg13[%dma_start3A_31, %dma_start3A_32] : memref<4x128xf32, #tpu.memory_space<vmem_shared>> -> memref<4x128xf32, #tpu.memory_space<vmem_shared>>
    tpu.enqueue_indirect_dma source(%dma_start3A_33 : memref<4x128xf32, #tpu.memory_space<vmem_shared>>) target(%arg18 : memref<80x128xf32, #tpu.memory_space<vmem>>) offsets(%dma_start3A_30 : memref<80xi32, #tpu.memory_space<vmem>>) semaphore(%arg23 : memref<!tpu.dma_semaphore, #tpu.memory_space<semaphore_mem>>)
    %dma_start3A_34 = arith.constant 320 : i32
    %dma_start3A_35 = tpu.memref_slice %arg11[%dma_start3A_34] : memref<10000xi32, #tpu.memory_space<vmem>> -> memref<80xi32, #tpu.memory_space<vmem>>
    %dma_start3A_36 = arith.constant 0 : i32
    %dma_start3A_37 = arith.constant 0 : i32
    %dma_start3A_38 = tpu.memref_slice %arg13[%dma_start3A_36, %dma_start3A_37] : memref<4x128xf32, #tpu.memory_space<vmem_shared>> -> memref<4x128xf32, #tpu.memory_space<vmem_shared>>
    tpu.enqueue_indirect_dma source(%dma_start3A_38 : memref<4x128xf32, #tpu.memory_space<vmem_shared>>) target(%arg19 : memref<80x128xf32, #tpu.memory_space<vmem>>) offsets(%dma_start3A_35 : memref<80xi32, #tpu.memory_space<vmem>>) semaphore(%arg24 : memref<!tpu.dma_semaphore, #tpu.memory_space<semaphore_mem>>)
    %dma_wait3A = arith.constant 0 : i32
    %dma_wait3A_39 = arith.constant 0 : i32
    %dma_wait3A_40 = tpu.memref_slice %arg7[%dma_wait3A, %dma_wait3A_39] : memref<320000x128xf32, #tpu.memory_space<hbm>> -> memref<80x128xf32, #tpu.memory_space<hbm>>
    %dma_wait3A_41 = arith.constant 0 : i32
    %dma_wait3A_42 = arith.constant 0 : i32
    %dma_wait3A_43 = tpu.memref_slice %arg7[%dma_wait3A_41, %dma_wait3A_42] : memref<320000x128xf32, #tpu.memory_space<hbm>> -> memref<80x128xf32, #tpu.memory_space<hbm>>
    tpu.wait_dma2 semaphore(%arg20 : memref<!tpu.dma_semaphore, #tpu.memory_space<semaphore_mem>>) src(%dma_wait3A_43 : memref<80x128xf32, #tpu.memory_space<hbm>>) dst(%arg15 : memref<80x128xf32, #tpu.memory_space<vmem>>)
    %add3A_44 = arith.constant 0 : i32
    %add3A_45 = arith.addi %mul3A_2, %add3A_44 : i32
    %dma_start3A_46 = arith.constant 0 : i32
    %dma_start3A_47 = tpu.memref_slice %arg7[%add3A_45, %dma_start3A_46] : memref<320000x128xf32, #tpu.memory_space<hbm>> -> memref<80x128xf32, #tpu.memory_space<hbm>>
    %dma_start3A_48 = arith.constant 0 : i32
    %dma_start3A_49 = tpu.memref_slice %arg7[%add3A_45, %dma_start3A_48] : memref<320000x128xf32, #tpu.memory_space<hbm>> -> memref<80x128xf32, #tpu.memory_space<hbm>>
    tpu.enqueue_dma source(%arg15 : memref<80x128xf32, #tpu.memory_space<vmem>>) target(%dma_start3A_49 : memref<80x128xf32, #tpu.memory_space<hbm>>) target_semaphore(%arg25 : memref<!tpu.dma_semaphore, #tpu.memory_space<semaphore_mem>>)
    %dma_wait3A_50 = arith.constant 0 : i32
    %dma_wait3A_51 = arith.constant 0 : i32
    %dma_wait3A_52 = tpu.memref_slice %arg7[%dma_wait3A_50, %dma_wait3A_51] : memref<320000x128xf32, #tpu.memory_space<hbm>> -> memref<80x128xf32, #tpu.memory_space<hbm>>
    %dma_wait3A_53 = arith.constant 0 : i32
    %dma_wait3A_54 = arith.constant 0 : i32
    %dma_wait3A_55 = tpu.memref_slice %arg7[%dma_wait3A_53, %dma_wait3A_54] : memref<320000x128xf32, #tpu.memory_space<hbm>> -> memref<80x128xf32, #tpu.memory_space<hbm>>
    tpu.wait_dma2 semaphore(%arg21 : memref<!tpu.dma_semaphore, #tpu.memory_space<semaphore_mem>>) src(%dma_wait3A_55 : memref<80x128xf32, #tpu.memory_space<hbm>>) dst(%arg16 : memref<80x128xf32, #tpu.memory_space<vmem>>)
    %add3A_56 = arith.constant 80 : i32
    %add3A_57 = arith.addi %mul3A_2, %add3A_56 : i32
    %dma_start3A_58 = arith.constant 0 : i32
    %dma_start3A_59 = tpu.memref_slice %arg7[%add3A_57, %dma_start3A_58] : memref<320000x128xf32, #tpu.memory_space<hbm>> -> memref<80x128xf32, #tpu.memory_space<hbm>>
    %dma_start3A_60 = arith.constant 0 : i32
    %dma_start3A_61 = tpu.memref_slice %arg7[%add3A_57, %dma_start3A_60] : memref<320000x128xf32, #tpu.memory_space<hbm>> -> memref<80x128xf32, #tpu.memory_space<hbm>>
    tpu.enqueue_dma source(%arg16 : memref<80x128xf32, #tpu.memory_space<vmem>>) target(%dma_start3A_61 : memref<80x128xf32, #tpu.memory_space<hbm>>) target_semaphore(%arg26 : memref<!tpu.dma_semaphore, #tpu.memory_space<semaphore_mem>>)
    %dma_wait3A_62 = arith.constant 0 : i32
    %dma_wait3A_63 = arith.constant 0 : i32
    %dma_wait3A_64 = tpu.memref_slice %arg7[%dma_wait3A_62, %dma_wait3A_63] : memref<320000x128xf32, #tpu.memory_space<hbm>> -> memref<80x128xf32, #tpu.memory_space<hbm>>
    %dma_wait3A_65 = arith.constant 0 : i32
    %dma_wait3A_66 = arith.constant 0 : i32
    %dma_wait3A_67 = tpu.memref_slice %arg7[%dma_wait3A_65, %dma_wait3A_66] : memref<320000x128xf32, #tpu.memory_space<hbm>> -> memref<80x128xf32, #tpu.memory_space<hbm>>
    tpu.wait_dma2 semaphore(%arg22 : memref<!tpu.dma_semaphore, #tpu.memory_space<semaphore_mem>>) src(%dma_wait3A_67 : memref<80x128xf32, #tpu.memory_space<hbm>>) dst(%arg17 : memref<80x128xf32, #tpu.memory_space<vmem>>)
    %add3A_68 = arith.constant 160 : i32
    %add3A_69 = arith.addi %mul3A_2, %add3A_68 : i32
    %dma_start3A_70 = arith.constant 0 : i32
    %dma_start3A_71 = tpu.memref_slice %arg7[%add3A_69, %dma_start3A_70] : memref<320000x128xf32, #tpu.memory_space<hbm>> -> memref<80x128xf32, #tpu.memory_space<hbm>>
    %dma_start3A_72 = arith.constant 0 : i32
    %dma_start3A_73 = tpu.memref_slice %arg7[%add3A_69, %dma_start3A_72] : memref<320000x128xf32, #tpu.memory_space<hbm>> -> memref<80x128xf32, #tpu.memory_space<hbm>>
    tpu.enqueue_dma source(%arg17 : memref<80x128xf32, #tpu.memory_space<vmem>>) target(%dma_start3A_73 : memref<80x128xf32, #tpu.memory_space<hbm>>) target_semaphore(%arg27 : memref<!tpu.dma_semaphore, #tpu.memory_space<semaphore_mem>>)
    %dma_wait3A_74 = arith.constant 0 : i32
    %dma_wait3A_75 = arith.constant 0 : i32
    %dma_wait3A_76 = tpu.memref_slice %arg7[%dma_wait3A_74, %dma_wait3A_75] : memref<320000x128xf32, #tpu.memory_space<hbm>> -> memref<80x128xf32, #tpu.memory_space<hbm>>
    %dma_wait3A_77 = arith.constant 0 : i32
    %dma_wait3A_78 = arith.constant 0 : i32
    %dma_wait3A_79 = tpu.memref_slice %arg7[%dma_wait3A_77, %dma_wait3A_78] : memref<320000x128xf32, #tpu.memory_space<hbm>> -> memref<80x128xf32, #tpu.memory_space<hbm>>
    tpu.wait_dma2 semaphore(%arg23 : memref<!tpu.dma_semaphore, #tpu.memory_space<semaphore_mem>>) src(%dma_wait3A_79 : memref<80x128xf32, #tpu.memory_space<hbm>>) dst(%arg18 : memref<80x128xf32, #tpu.memory_space<vmem>>)
    %add3A_80 = arith.constant 240 : i32
    %add3A_81 = arith.addi %mul3A_2, %add3A_80 : i32
    %dma_start3A_82 = arith.constant 0 : i32
    %dma_start3A_83 = tpu.memref_slice %arg7[%add3A_81, %dma_start3A_82] : memref<320000x128xf32, #tpu.memory_space<hbm>> -> memref<80x128xf32, #tpu.memory_space<hbm>>
    %dma_start3A_84 = arith.constant 0 : i32
    %dma_start3A_85 = tpu.memref_slice %arg7[%add3A_81, %dma_start3A_84] : memref<320000x128xf32, #tpu.memory_space<hbm>> -> memref<80x128xf32, #tpu.memory_space<hbm>>
    tpu.enqueue_dma source(%arg18 : memref<80x128xf32, #tpu.memory_space<vmem>>) target(%dma_start3A_85 : memref<80x128xf32, #tpu.memory_space<hbm>>) target_semaphore(%arg28 : memref<!tpu.dma_semaphore, #tpu.memory_space<semaphore_mem>>)
    %dma_wait3A_86 = arith.constant 0 : i32
    %dma_wait3A_87 = arith.constant 0 : i32
    %dma_wait3A_88 = tpu.memref_slice %arg7[%dma_wait3A_86, %dma_wait3A_87] : memref<320000x128xf32, #tpu.memory_space<hbm>> -> memref<80x128xf32, #tpu.memory_space<hbm>>
    %dma_wait3A_89 = arith.constant 0 : i32
    %dma_wait3A_90 = arith.constant 0 : i32
    %dma_wait3A_91 = tpu.memref_slice %arg7[%dma_wait3A_89, %dma_wait3A_90] : memref<320000x128xf32, #tpu.memory_space<hbm>> -> memref<80x128xf32, #tpu.memory_space<hbm>>
    tpu.wait_dma2 semaphore(%arg24 : memref<!tpu.dma_semaphore, #tpu.memory_space<semaphore_mem>>) src(%dma_wait3A_91 : memref<80x128xf32, #tpu.memory_space<hbm>>) dst(%arg19 : memref<80x128xf32, #tpu.memory_space<vmem>>)
    %add3A_92 = arith.constant 320 : i32
    %add3A_93 = arith.addi %mul3A_2, %add3A_92 : i32
    %dma_start3A_94 = arith.constant 0 : i32
    %dma_start3A_95 = tpu.memref_slice %arg7[%add3A_93, %dma_start3A_94] : memref<320000x128xf32, #tpu.memory_space<hbm>> -> memref<80x128xf32, #tpu.memory_space<hbm>>
    %dma_start3A_96 = arith.constant 0 : i32
    %dma_start3A_97 = tpu.memref_slice %arg7[%add3A_93, %dma_start3A_96] : memref<320000x128xf32, #tpu.memory_space<hbm>> -> memref<80x128xf32, #tpu.memory_space<hbm>>
    tpu.enqueue_dma source(%arg19 : memref<80x128xf32, #tpu.memory_space<vmem>>) target(%dma_start3A_97 : memref<80x128xf32, #tpu.memory_space<hbm>>) target_semaphore(%arg29 : memref<!tpu.dma_semaphore, #tpu.memory_space<semaphore_mem>>)
    %scan3A_98 = arith.constant 0 : i32
    %scan3A_99 = arith.constant 1 : i32
    %scan3A_100 = arith.constant 24 : i32
    %scan3A_101 = arith.addi %scan3A_99, %scan3A_100 : i32
    %scan3A_102 = arith.constant 1 : i32
    scf.for %scan3A_333 = %scan3A_99 to %scan3A_101 step %scan3A_102  : i32 {
      %mul3A_334 = arith.constant 5 : i32
      %mul3A_335 = arith.muli %scan3A_333, %mul3A_334 : i32
      %dma_wait3A_336 = arith.constant 0 : i32
      %dma_wait3A_337 = arith.constant 0 : i32
      %dma_wait3A_338 = tpu.memref_slice %arg7[%dma_wait3A_336, %dma_wait3A_337] : memref<320000x128xf32, #tpu.memory_space<hbm>> -> memref<80x128xf32, #tpu.memory_space<hbm>>
      %dma_wait3A_339 = arith.constant 0 : i32
      %dma_wait3A_340 = arith.constant 0 : i32
      %dma_wait3A_341 = tpu.memref_slice %arg7[%dma_wait3A_339, %dma_wait3A_340] : memref<320000x128xf32, #tpu.memory_space<hbm>> -> memref<80x128xf32, #tpu.memory_space<hbm>>
      tpu.wait_dma2 semaphore(%arg25 : memref<!tpu.dma_semaphore, #tpu.memory_space<semaphore_mem>>) src(%arg15 : memref<80x128xf32, #tpu.memory_space<vmem>>) dst(%dma_wait3A_341 : memref<80x128xf32, #tpu.memory_space<hbm>>)
      %add3A_342 = arith.constant 0 : i32
      %add3A_343 = arith.addi %mul3A_335, %add3A_342 : i32
      %mul3A_344 = arith.constant 80 : i32
      %mul3A_345 = arith.muli %add3A_343, %mul3A_344 : i32
      %dma_start3A_346 = tpu.memref_slice %arg11[%mul3A_345] : memref<10000xi32, #tpu.memory_space<vmem>> -> memref<80xi32, #tpu.memory_space<vmem>>
      %dma_start3A_347 = arith.constant 0 : i32
      %dma_start3A_348 = arith.constant 0 : i32
      %dma_start3A_349 = tpu.memref_slice %arg13[%dma_start3A_347, %dma_start3A_348] : memref<4x128xf32, #tpu.memory_space<vmem_shared>> -> memref<4x128xf32, #tpu.memory_space<vmem_shared>>
      tpu.enqueue_indirect_dma source(%dma_start3A_349 : memref<4x128xf32, #tpu.memory_space<vmem_shared>>) target(%arg15 : memref<80x128xf32, #tpu.memory_space<vmem>>) offsets(%dma_start3A_346 : memref<80xi32, #tpu.memory_space<vmem>>) semaphore(%arg20 : memref<!tpu.dma_semaphore, #tpu.memory_space<semaphore_mem>>)
      %dma_wait3A_350 = arith.constant 0 : i32
      %dma_wait3A_351 = arith.constant 0 : i32
      %dma_wait3A_352 = tpu.memref_slice %arg7[%dma_wait3A_350, %dma_wait3A_351] : memref<320000x128xf32, #tpu.memory_space<hbm>> -> memref<80x128xf32, #tpu.memory_space<hbm>>
      %dma_wait3A_353 = arith.constant 0 : i32
      %dma_wait3A_354 = arith.constant 0 : i32
      %dma_wait3A_355 = tpu.memref_slice %arg7[%dma_wait3A_353, %dma_wait3A_354] : memref<320000x128xf32, #tpu.memory_space<hbm>> -> memref<80x128xf32, #tpu.memory_space<hbm>>
      tpu.wait_dma2 semaphore(%arg26 : memref<!tpu.dma_semaphore, #tpu.memory_space<semaphore_mem>>) src(%arg16 : memref<80x128xf32, #tpu.memory_space<vmem>>) dst(%dma_wait3A_355 : memref<80x128xf32, #tpu.memory_space<hbm>>)
      %add3A_356 = arith.constant 1 : i32
      %add3A_357 = arith.addi %mul3A_335, %add3A_356 : i32
      %mul3A_358 = arith.constant 80 : i32
      %mul3A_359 = arith.muli %add3A_357, %mul3A_358 : i32
      %dma_start3A_360 = tpu.memref_slice %arg11[%mul3A_359] : memref<10000xi32, #tpu.memory_space<vmem>> -> memref<80xi32, #tpu.memory_space<vmem>>
      %dma_start3A_361 = arith.constant 0 : i32
      %dma_start3A_362 = arith.constant 0 : i32
      %dma_start3A_363 = tpu.memref_slice %arg13[%dma_start3A_361, %dma_start3A_362] : memref<4x128xf32, #tpu.memory_space<vmem_shared>> -> memref<4x128xf32, #tpu.memory_space<vmem_shared>>
      tpu.enqueue_indirect_dma source(%dma_start3A_363 : memref<4x128xf32, #tpu.memory_space<vmem_shared>>) target(%arg16 : memref<80x128xf32, #tpu.memory_space<vmem>>) offsets(%dma_start3A_360 : memref<80xi32, #tpu.memory_space<vmem>>) semaphore(%arg21 : memref<!tpu.dma_semaphore, #tpu.memory_space<semaphore_mem>>)
      %dma_wait3A_364 = arith.constant 0 : i32
      %dma_wait3A_365 = arith.constant 0 : i32
      %dma_wait3A_366 = tpu.memref_slice %arg7[%dma_wait3A_364, %dma_wait3A_365] : memref<320000x128xf32, #tpu.memory_space<hbm>> -> memref<80x128xf32, #tpu.memory_space<hbm>>
      %dma_wait3A_367 = arith.constant 0 : i32
      %dma_wait3A_368 = arith.constant 0 : i32
      %dma_wait3A_369 = tpu.memref_slice %arg7[%dma_wait3A_367, %dma_wait3A_368] : memref<320000x128xf32, #tpu.memory_space<hbm>> -> memref<80x128xf32, #tpu.memory_space<hbm>>
      tpu.wait_dma2 semaphore(%arg27 : memref<!tpu.dma_semaphore, #tpu.memory_space<semaphore_mem>>) src(%arg17 : memref<80x128xf32, #tpu.memory_space<vmem>>) dst(%dma_wait3A_369 : memref<80x128xf32, #tpu.memory_space<hbm>>)
      %add3A_370 = arith.constant 2 : i32
      %add3A_371 = arith.addi %mul3A_335, %add3A_370 : i32
      %mul3A_372 = arith.constant 80 : i32
      %mul3A_373 = arith.muli %add3A_371, %mul3A_372 : i32
      %dma_start3A_374 = tpu.memref_slice %arg11[%mul3A_373] : memref<10000xi32, #tpu.memory_space<vmem>> -> memref<80xi32, #tpu.memory_space<vmem>>
      %dma_start3A_375 = arith.constant 0 : i32
      %dma_start3A_376 = arith.constant 0 : i32
      %dma_start3A_377 = tpu.memref_slice %arg13[%dma_start3A_375, %dma_start3A_376] : memref<4x128xf32, #tpu.memory_space<vmem_shared>> -> memref<4x128xf32, #tpu.memory_space<vmem_shared>>
      tpu.enqueue_indirect_dma source(%dma_start3A_377 : memref<4x128xf32, #tpu.memory_space<vmem_shared>>) target(%arg17 : memref<80x128xf32, #tpu.memory_space<vmem>>) offsets(%dma_start3A_374 : memref<80xi32, #tpu.memory_space<vmem>>) semaphore(%arg22 : memref<!tpu.dma_semaphore, #tpu.memory_space<semaphore_mem>>)
      %dma_wait3A_378 = arith.constant 0 : i32
      %dma_wait3A_379 = arith.constant 0 : i32
      %dma_wait3A_380 = tpu.memref_slice %arg7[%dma_wait3A_378, %dma_wait3A_379] : memref<320000x128xf32, #tpu.memory_space<hbm>> -> memref<80x128xf32, #tpu.memory_space<hbm>>
      %dma_wait3A_381 = arith.constant 0 : i32
      %dma_wait3A_382 = arith.constant 0 : i32
      %dma_wait3A_383 = tpu.memref_slice %arg7[%dma_wait3A_381, %dma_wait3A_382] : memref<320000x128xf32, #tpu.memory_space<hbm>> -> memref<80x128xf32, #tpu.memory_space<hbm>>
      tpu.wait_dma2 semaphore(%arg28 : memref<!tpu.dma_semaphore, #tpu.memory_space<semaphore_mem>>) src(%arg18 : memref<80x128xf32, #tpu.memory_space<vmem>>) dst(%dma_wait3A_383 : memref<80x128xf32, #tpu.memory_space<hbm>>)
      %add3A_384 = arith.constant 3 : i32
      %add3A_385 = arith.addi %mul3A_335, %add3A_384 : i32
      %mul3A_386 = arith.constant 80 : i32
      %mul3A_387 = arith.muli %add3A_385, %mul3A_386 : i32
      %dma_start3A_388 = tpu.memref_slice %arg11[%mul3A_387] : memref<10000xi32, #tpu.memory_space<vmem>> -> memref<80xi32, #tpu.memory_space<vmem>>
      %dma_start3A_389 = arith.constant 0 : i32
      %dma_start3A_390 = arith.constant 0 : i32
      %dma_start3A_391 = tpu.memref_slice %arg13[%dma_start3A_389, %dma_start3A_390] : memref<4x128xf32, #tpu.memory_space<vmem_shared>> -> memref<4x128xf32, #tpu.memory_space<vmem_shared>>
      tpu.enqueue_indirect_dma source(%dma_start3A_391 : memref<4x128xf32, #tpu.memory_space<vmem_shared>>) target(%arg18 : memref<80x128xf32, #tpu.memory_space<vmem>>) offsets(%dma_start3A_388 : memref<80xi32, #tpu.memory_space<vmem>>) semaphore(%arg23 : memref<!tpu.dma_semaphore, #tpu.memory_space<semaphore_mem>>)
      %dma_wait3A_392 = arith.constant 0 : i32
      %dma_wait3A_393 = arith.constant 0 : i32
      %dma_wait3A_394 = tpu.memref_slice %arg7[%dma_wait3A_392, %dma_wait3A_393] : memref<320000x128xf32, #tpu.memory_space<hbm>> -> memref<80x128xf32, #tpu.memory_space<hbm>>
      %dma_wait3A_395 = arith.constant 0 : i32
      %dma_wait3A_396 = arith.constant 0 : i32
      %dma_wait3A_397 = tpu.memref_slice %arg7[%dma_wait3A_395, %dma_wait3A_396] : memref<320000x128xf32, #tpu.memory_space<hbm>> -> memref<80x128xf32, #tpu.memory_space<hbm>>
      tpu.wait_dma2 semaphore(%arg29 : memref<!tpu.dma_semaphore, #tpu.memory_space<semaphore_mem>>) src(%arg19 : memref<80x128xf32, #tpu.memory_space<vmem>>) dst(%dma_wait3A_397 : memref<80x128xf32, #tpu.memory_space<hbm>>)
      %add3A_398 = arith.constant 4 : i32
      %add3A_399 = arith.addi %mul3A_335, %add3A_398 : i32
      %mul3A_400 = arith.constant 80 : i32
      %mul3A_401 = arith.muli %add3A_399, %mul3A_400 : i32
      %dma_start3A_402 = tpu.memref_slice %arg11[%mul3A_401] : memref<10000xi32, #tpu.memory_space<vmem>> -> memref<80xi32, #tpu.memory_space<vmem>>
      %dma_start3A_403 = arith.constant 0 : i32
      %dma_start3A_404 = arith.constant 0 : i32
      %dma_start3A_405 = tpu.memref_slice %arg13[%dma_start3A_403, %dma_start3A_404] : memref<4x128xf32, #tpu.memory_space<vmem_shared>> -> memref<4x128xf32, #tpu.memory_space<vmem_shared>>
      tpu.enqueue_indirect_dma source(%dma_start3A_405 : memref<4x128xf32, #tpu.memory_space<vmem_shared>>) target(%arg19 : memref<80x128xf32, #tpu.memory_space<vmem>>) offsets(%dma_start3A_402 : memref<80xi32, #tpu.memory_space<vmem>>) semaphore(%arg24 : memref<!tpu.dma_semaphore, #tpu.memory_space<semaphore_mem>>)
      %dma_wait3A_406 = arith.constant 0 : i32
      %dma_wait3A_407 = arith.constant 0 : i32
      %dma_wait3A_408 = tpu.memref_slice %arg7[%dma_wait3A_406, %dma_wait3A_407] : memref<320000x128xf32, #tpu.memory_space<hbm>> -> memref<80x128xf32, #tpu.memory_space<hbm>>
      %dma_wait3A_409 = arith.constant 0 : i32
      %dma_wait3A_410 = arith.constant 0 : i32
      %dma_wait3A_411 = tpu.memref_slice %arg7[%dma_wait3A_409, %dma_wait3A_410] : memref<320000x128xf32, #tpu.memory_space<hbm>> -> memref<80x128xf32, #tpu.memory_space<hbm>>
      tpu.wait_dma2 semaphore(%arg20 : memref<!tpu.dma_semaphore, #tpu.memory_space<semaphore_mem>>) src(%dma_wait3A_411 : memref<80x128xf32, #tpu.memory_space<hbm>>) dst(%arg15 : memref<80x128xf32, #tpu.memory_space<vmem>>)
      %add3A_412 = arith.constant 0 : i32
      %add3A_413 = arith.addi %mul3A_335, %add3A_412 : i32
      %mul3A_414 = arith.constant 80 : i32
      %mul3A_415 = arith.muli %add3A_413, %mul3A_414 : i32
      %add3A_416 = arith.addi %mul3A_2, %mul3A_415 : i32
      %dma_start3A_417 = arith.constant 0 : i32
      %dma_start3A_418 = tpu.memref_slice %arg7[%add3A_416, %dma_start3A_417] : memref<320000x128xf32, #tpu.memory_space<hbm>> -> memref<80x128xf32, #tpu.memory_space<hbm>>
      %dma_start3A_419 = arith.constant 0 : i32
      %dma_start3A_420 = tpu.memref_slice %arg7[%add3A_416, %dma_start3A_419] : memref<320000x128xf32, #tpu.memory_space<hbm>> -> memref<80x128xf32, #tpu.memory_space<hbm>>
      tpu.enqueue_dma source(%arg15 : memref<80x128xf32, #tpu.memory_space<vmem>>) target(%dma_start3A_420 : memref<80x128xf32, #tpu.memory_space<hbm>>) target_semaphore(%arg25 : memref<!tpu.dma_semaphore, #tpu.memory_space<semaphore_mem>>)
      %dma_wait3A_421 = arith.constant 0 : i32
      %dma_wait3A_422 = arith.constant 0 : i32
      %dma_wait3A_423 = tpu.memref_slice %arg7[%dma_wait3A_421, %dma_wait3A_422] : memref<320000x128xf32, #tpu.memory_space<hbm>> -> memref<80x128xf32, #tpu.memory_space<hbm>>
      %dma_wait3A_424 = arith.constant 0 : i32
      %dma_wait3A_425 = arith.constant 0 : i32
      %dma_wait3A_426 = tpu.memref_slice %arg7[%dma_wait3A_424, %dma_wait3A_425] : memref<320000x128xf32, #tpu.memory_space<hbm>> -> memref<80x128xf32, #tpu.memory_space<hbm>>
      tpu.wait_dma2 semaphore(%arg21 : memref<!tpu.dma_semaphore, #tpu.memory_space<semaphore_mem>>) src(%dma_wait3A_426 : memref<80x128xf32, #tpu.memory_space<hbm>>) dst(%arg16 : memref<80x128xf32, #tpu.memory_space<vmem>>)
      %add3A_427 = arith.constant 1 : i32
      %add3A_428 = arith.addi %mul3A_335, %add3A_427 : i32
      %mul3A_429 = arith.constant 80 : i32
      %mul3A_430 = arith.muli %add3A_428, %mul3A_429 : i32
      %add3A_431 = arith.addi %mul3A_2, %mul3A_430 : i32
      %dma_start3A_432 = arith.constant 0 : i32
      %dma_start3A_433 = tpu.memref_slice %arg7[%add3A_431, %dma_start3A_432] : memref<320000x128xf32, #tpu.memory_space<hbm>> -> memref<80x128xf32, #tpu.memory_space<hbm>>
      %dma_start3A_434 = arith.constant 0 : i32
      %dma_start3A_435 = tpu.memref_slice %arg7[%add3A_431, %dma_start3A_434] : memref<320000x128xf32, #tpu.memory_space<hbm>> -> memref<80x128xf32, #tpu.memory_space<hbm>>
      tpu.enqueue_dma source(%arg16 : memref<80x128xf32, #tpu.memory_space<vmem>>) target(%dma_start3A_435 : memref<80x128xf32, #tpu.memory_space<hbm>>) target_semaphore(%arg26 : memref<!tpu.dma_semaphore, #tpu.memory_space<semaphore_mem>>)
      %dma_wait3A_436 = arith.constant 0 : i32
      %dma_wait3A_437 = arith.constant 0 : i32
      %dma_wait3A_438 = tpu.memref_slice %arg7[%dma_wait3A_436, %dma_wait3A_437] : memref<320000x128xf32, #tpu.memory_space<hbm>> -> memref<80x128xf32, #tpu.memory_space<hbm>>
      %dma_wait3A_439 = arith.constant 0 : i32
      %dma_wait3A_440 = arith.constant 0 : i32
      %dma_wait3A_441 = tpu.memref_slice %arg7[%dma_wait3A_439, %dma_wait3A_440] : memref<320000x128xf32, #tpu.memory_space<hbm>> -> memref<80x128xf32, #tpu.memory_space<hbm>>
      tpu.wait_dma2 semaphore(%arg22 : memref<!tpu.dma_semaphore, #tpu.memory_space<semaphore_mem>>) src(%dma_wait3A_441 : memref<80x128xf32, #tpu.memory_space<hbm>>) dst(%arg17 : memref<80x128xf32, #tpu.memory_space<vmem>>)
      %add3A_442 = arith.constant 2 : i32
      %add3A_443 = arith.addi %mul3A_335, %add3A_442 : i32
      %mul3A_444 = arith.constant 80 : i32
      %mul3A_445 = arith.muli %add3A_443, %mul3A_444 : i32
      %add3A_446 = arith.addi %mul3A_2, %mul3A_445 : i32
      %dma_start3A_447 = arith.constant 0 : i32
      %dma_start3A_448 = tpu.memref_slice %arg7[%add3A_446, %dma_start3A_447] : memref<320000x128xf32, #tpu.memory_space<hbm>> -> memref<80x128xf32, #tpu.memory_space<hbm>>
      %dma_start3A_449 = arith.constant 0 : i32
      %dma_start3A_450 = tpu.memref_slice %arg7[%add3A_446, %dma_start3A_449] : memref<320000x128xf32, #tpu.memory_space<hbm>> -> memref<80x128xf32, #tpu.memory_space<hbm>>
      tpu.enqueue_dma source(%arg17 : memref<80x128xf32, #tpu.memory_space<vmem>>) target(%dma_start3A_450 : memref<80x128xf32, #tpu.memory_space<hbm>>) target_semaphore(%arg27 : memref<!tpu.dma_semaphore, #tpu.memory_space<semaphore_mem>>)
      %dma_wait3A_451 = arith.constant 0 : i32
      %dma_wait3A_452 = arith.constant 0 : i32
      %dma_wait3A_453 = tpu.memref_slice %arg7[%dma_wait3A_451, %dma_wait3A_452] : memref<320000x128xf32, #tpu.memory_space<hbm>> -> memref<80x128xf32, #tpu.memory_space<hbm>>
      %dma_wait3A_454 = arith.constant 0 : i32
      %dma_wait3A_455 = arith.constant 0 : i32
      %dma_wait3A_456 = tpu.memref_slice %arg7[%dma_wait3A_454, %dma_wait3A_455] : memref<320000x128xf32, #tpu.memory_space<hbm>> -> memref<80x128xf32, #tpu.memory_space<hbm>>
      tpu.wait_dma2 semaphore(%arg23 : memref<!tpu.dma_semaphore, #tpu.memory_space<semaphore_mem>>) src(%dma_wait3A_456 : memref<80x128xf32, #tpu.memory_space<hbm>>) dst(%arg18 : memref<80x128xf32, #tpu.memory_space<vmem>>)
      %add3A_457 = arith.constant 3 : i32
      %add3A_458 = arith.addi %mul3A_335, %add3A_457 : i32
      %mul3A_459 = arith.constant 80 : i32
      %mul3A_460 = arith.muli %add3A_458, %mul3A_459 : i32
      %add3A_461 = arith.addi %mul3A_2, %mul3A_460 : i32
      %dma_start3A_462 = arith.constant 0 : i32
      %dma_start3A_463 = tpu.memref_slice %arg7[%add3A_461, %dma_start3A_462] : memref<320000x128xf32, #tpu.memory_space<hbm>> -> memref<80x128xf32, #tpu.memory_space<hbm>>
      %dma_start3A_464 = arith.constant 0 : i32
      %dma_start3A_465 = tpu.memref_slice %arg7[%add3A_461, %dma_start3A_464] : memref<320000x128xf32, #tpu.memory_space<hbm>> -> memref<80x128xf32, #tpu.memory_space<hbm>>
      tpu.enqueue_dma source(%arg18 : memref<80x128xf32, #tpu.memory_space<vmem>>) target(%dma_start3A_465 : memref<80x128xf32, #tpu.memory_space<hbm>>) target_semaphore(%arg28 : memref<!tpu.dma_semaphore, #tpu.memory_space<semaphore_mem>>)
      %dma_wait3A_466 = arith.constant 0 : i32
      %dma_wait3A_467 = arith.constant 0 : i32
      %dma_wait3A_468 = tpu.memref_slice %arg7[%dma_wait3A_466, %dma_wait3A_467] : memref<320000x128xf32, #tpu.memory_space<hbm>> -> memref<80x128xf32, #tpu.memory_space<hbm>>
      %dma_wait3A_469 = arith.constant 0 : i32
      %dma_wait3A_470 = arith.constant 0 : i32
      %dma_wait3A_471 = tpu.memref_slice %arg7[%dma_wait3A_469, %dma_wait3A_470] : memref<320000x128xf32, #tpu.memory_space<hbm>> -> memref<80x128xf32, #tpu.memory_space<hbm>>
      tpu.wait_dma2 semaphore(%arg24 : memref<!tpu.dma_semaphore, #tpu.memory_space<semaphore_mem>>) src(%dma_wait3A_471 : memref<80x128xf32, #tpu.memory_space<hbm>>) dst(%arg19 : memref<80x128xf32, #tpu.memory_space<vmem>>)
      %add3A_472 = arith.constant 4 : i32
      %add3A_473 = arith.addi %mul3A_335, %add3A_472 : i32
      %mul3A_474 = arith.constant 80 : i32
      %mul3A_475 = arith.muli %add3A_473, %mul3A_474 : i32
      %add3A_476 = arith.addi %mul3A_2, %mul3A_475 : i32
      %dma_start3A_477 = arith.constant 0 : i32
      %dma_start3A_478 = tpu.memref_slice %arg7[%add3A_476, %dma_start3A_477] : memref<320000x128xf32, #tpu.memory_space<hbm>> -> memref<80x128xf32, #tpu.memory_space<hbm>>
      %dma_start3A_479 = arith.constant 0 : i32
      %dma_start3A_480 = tpu.memref_slice %arg7[%add3A_476, %dma_start3A_479] : memref<320000x128xf32, #tpu.memory_space<hbm>> -> memref<80x128xf32, #tpu.memory_space<hbm>>
      tpu.enqueue_dma source(%arg19 : memref<80x128xf32, #tpu.memory_space<vmem>>) target(%dma_start3A_480 : memref<80x128xf32, #tpu.memory_space<hbm>>) target_semaphore(%arg29 : memref<!tpu.dma_semaphore, #tpu.memory_space<semaphore_mem>>)
    }
    %scan3A_103 = arith.constant 24 : i32
    %dma_wait3A_104 = arith.constant 0 : i32
    %dma_wait3A_105 = arith.constant 0 : i32
    %dma_wait3A_106 = tpu.memref_slice %arg7[%dma_wait3A_104, %dma_wait3A_105] : memref<320000x128xf32, #tpu.memory_space<hbm>> -> memref<80x128xf32, #tpu.memory_space<hbm>>
    %dma_wait3A_107 = arith.constant 0 : i32
    %dma_wait3A_108 = arith.constant 0 : i32
    %dma_wait3A_109 = tpu.memref_slice %arg7[%dma_wait3A_107, %dma_wait3A_108] : memref<320000x128xf32, #tpu.memory_space<hbm>> -> memref<80x128xf32, #tpu.memory_space<hbm>>
    tpu.wait_dma2 semaphore(%arg25 : memref<!tpu.dma_semaphore, #tpu.memory_space<semaphore_mem>>) src(%arg15 : memref<80x128xf32, #tpu.memory_space<vmem>>) dst(%dma_wait3A_109 : memref<80x128xf32, #tpu.memory_space<hbm>>)
    %dma_wait3A_110 = arith.constant 0 : i32
    %dma_wait3A_111 = arith.constant 0 : i32
    %dma_wait3A_112 = tpu.memref_slice %arg7[%dma_wait3A_110, %dma_wait3A_111] : memref<320000x128xf32, #tpu.memory_space<hbm>> -> memref<80x128xf32, #tpu.memory_space<hbm>>
    %dma_wait3A_113 = arith.constant 0 : i32
    %dma_wait3A_114 = arith.constant 0 : i32
    %dma_wait3A_115 = tpu.memref_slice %arg7[%dma_wait3A_113, %dma_wait3A_114] : memref<320000x128xf32, #tpu.memory_space<hbm>> -> memref<80x128xf32, #tpu.memory_space<hbm>>
    tpu.wait_dma2 semaphore(%arg26 : memref<!tpu.dma_semaphore, #tpu.memory_space<semaphore_mem>>) src(%arg16 : memref<80x128xf32, #tpu.memory_space<vmem>>) dst(%dma_wait3A_115 : memref<80x128xf32, #tpu.memory_space<hbm>>)
    %dma_wait3A_116 = arith.constant 0 : i32
    %dma_wait3A_117 = arith.constant 0 : i32
    %dma_wait3A_118 = tpu.memref_slice %arg7[%dma_wait3A_116, %dma_wait3A_117] : memref<320000x128xf32, #tpu.memory_space<hbm>> -> memref<80x128xf32, #tpu.memory_space<hbm>>
    %dma_wait3A_119 = arith.constant 0 : i32
    %dma_wait3A_120 = arith.constant 0 : i32
    %dma_wait3A_121 = tpu.memref_slice %arg7[%dma_wait3A_119, %dma_wait3A_120] : memref<320000x128xf32, #tpu.memory_space<hbm>> -> memref<80x128xf32, #tpu.memory_space<hbm>>
    tpu.wait_dma2 semaphore(%arg27 : memref<!tpu.dma_semaphore, #tpu.memory_space<semaphore_mem>>) src(%arg17 : memref<80x128xf32, #tpu.memory_space<vmem>>) dst(%dma_wait3A_121 : memref<80x128xf32, #tpu.memory_space<hbm>>)
    %dma_wait3A_122 = arith.constant 0 : i32
    %dma_wait3A_123 = arith.constant 0 : i32
    %dma_wait3A_124 = tpu.memref_slice %arg7[%dma_wait3A_122, %dma_wait3A_123] : memref<320000x128xf32, #tpu.memory_space<hbm>> -> memref<80x128xf32, #tpu.memory_space<hbm>>
    %dma_wait3A_125 = arith.constant 0 : i32
    %dma_wait3A_126 = arith.constant 0 : i32
    %dma_wait3A_127 = tpu.memref_slice %arg7[%dma_wait3A_125, %dma_wait3A_126] : memref<320000x128xf32, #tpu.memory_space<hbm>> -> memref<80x128xf32, #tpu.memory_space<hbm>>
    tpu.wait_dma2 semaphore(%arg28 : memref<!tpu.dma_semaphore, #tpu.memory_space<semaphore_mem>>) src(%arg18 : memref<80x128xf32, #tpu.memory_space<vmem>>) dst(%dma_wait3A_127 : memref<80x128xf32, #tpu.memory_space<hbm>>)
    %dma_wait3A_128 = arith.constant 0 : i32
    %dma_wait3A_129 = arith.constant 0 : i32
    %dma_wait3A_130 = tpu.memref_slice %arg7[%dma_wait3A_128, %dma_wait3A_129] : memref<320000x128xf32, #tpu.memory_space<hbm>> -> memref<80x128xf32, #tpu.memory_space<hbm>>
    %dma_wait3A_131 = arith.constant 0 : i32
    %dma_wait3A_132 = arith.constant 0 : i32
    %dma_wait3A_133 = tpu.memref_slice %arg7[%dma_wait3A_131, %dma_wait3A_132] : memref<320000x128xf32, #tpu.memory_space<hbm>> -> memref<80x128xf32, #tpu.memory_space<hbm>>
    tpu.wait_dma2 semaphore(%arg29 : memref<!tpu.dma_semaphore, #tpu.memory_space<semaphore_mem>>) src(%arg19 : memref<80x128xf32, #tpu.memory_space<vmem>>) dst(%dma_wait3A_133 : memref<80x128xf32, #tpu.memory_space<hbm>>)
    %mul3A_134 = arith.constant 312 : i32
    %mul3A_135 = arith.muli %add3A, %mul3A_134 : i32
    "tpu.region"() ({
      %run_scoped3A = tpu.sem_alloc : memref<!tpu.dma_semaphore, #tpu.memory_space<semaphore_mem>>
      %dma_start3A_333 = arith.constant 0 : i32
      %dma_start3A_334 = tpu.memref_slice %arg12[%dma_start3A_333] : memref<320xi32, #tpu.memory_space<vmem>> -> memref<312xi32, #tpu.memory_space<vmem>>
      %dma_start3A_335 = tpu.memref_slice %arg3[%mul3A_135] : memref<10000xi32, #tpu.memory_space<hbm>> -> memref<312xi32, #tpu.memory_space<hbm>>
      %dma_start3A_336 = arith.constant 0 : i32
      %dma_start3A_337 = tpu.memref_slice %arg12[%dma_start3A_336] : memref<320xi32, #tpu.memory_space<vmem>> -> memref<312xi32, #tpu.memory_space<vmem>>
      %dma_start3A_338 = tpu.memref_slice %arg3[%mul3A_135] : memref<10000xi32, #tpu.memory_space<hbm>> -> memref<312xi32, #tpu.memory_space<hbm>>
      tpu.enqueue_dma source(%dma_start3A_338 : memref<312xi32, #tpu.memory_space<hbm>>) target(%dma_start3A_337 : memref<312xi32, #tpu.memory_space<vmem>>) target_semaphore(%run_scoped3A : memref<!tpu.dma_semaphore, #tpu.memory_space<semaphore_mem>>)
      %dma_wait3A_339 = arith.constant 0 : i32
      %dma_wait3A_340 = tpu.memref_slice %arg12[%dma_wait3A_339] : memref<320xi32, #tpu.memory_space<vmem>> -> memref<312xi32, #tpu.memory_space<vmem>>
      %dma_wait3A_341 = tpu.memref_slice %arg3[%mul3A_135] : memref<10000xi32, #tpu.memory_space<hbm>> -> memref<312xi32, #tpu.memory_space<hbm>>
      %dma_wait3A_342 = arith.constant 0 : i32
      %dma_wait3A_343 = tpu.memref_slice %arg12[%dma_wait3A_342] : memref<320xi32, #tpu.memory_space<vmem>> -> memref<312xi32, #tpu.memory_space<vmem>>
      %dma_wait3A_344 = tpu.memref_slice %arg3[%mul3A_135] : memref<10000xi32, #tpu.memory_space<hbm>> -> memref<312xi32, #tpu.memory_space<hbm>>
      tpu.wait_dma2 semaphore(%run_scoped3A : memref<!tpu.dma_semaphore, #tpu.memory_space<semaphore_mem>>) src(%dma_wait3A_344 : memref<312xi32, #tpu.memory_space<hbm>>) dst(%dma_wait3A_343 : memref<312xi32, #tpu.memory_space<vmem>>)
      tpu.yield
    }) : () -> ()
    %dma_start3A_136 = arith.constant 0 : i32
    %dma_start3A_137 = arith.constant 0 : i32
    %dma_start3A_138 = tpu.memref_slice %arg15[%dma_start3A_136, %dma_start3A_137] : memref<80x128xf32, #tpu.memory_space<vmem>> -> memref<80x128xf32, #tpu.memory_space<vmem>>
    %dma_start3A_139 = arith.constant 0 : i32
    %dma_start3A_140 = tpu.memref_slice %arg12[%dma_start3A_139] : memref<320xi32, #tpu.memory_space<vmem>> -> memref<80xi32, #tpu.memory_space<vmem>>
    %dma_start3A_141 = arith.constant 0 : i32
    %dma_start3A_142 = arith.constant 0 : i32
    %dma_start3A_143 = tpu.memref_slice %arg14[%dma_start3A_141, %dma_start3A_142] : memref<100x128xf32, #tpu.memory_space<vmem_shared>> -> memref<100x128xf32, #tpu.memory_space<vmem_shared>>
    tpu.enqueue_indirect_dma source(%dma_start3A_143 : memref<100x128xf32, #tpu.memory_space<vmem_shared>>) target(%dma_start3A_138 : memref<80x128xf32, #tpu.memory_space<vmem>>) offsets(%dma_start3A_140 : memref<80xi32, #tpu.memory_space<vmem>>) semaphore(%arg20 : memref<!tpu.dma_semaphore, #tpu.memory_space<semaphore_mem>>)
    %add3A_144 = arith.constant 0 : i32
    %add3A_145 = arith.addi %mul3A_135, %add3A_144 : i32
    %dma_start3A_146 = arith.constant 0 : i32
    %dma_start3A_147 = arith.constant 0 : i32
    %dma_start3A_148 = tpu.memref_slice %arg16[%dma_start3A_146, %dma_start3A_147] : memref<80x128xf32, #tpu.memory_space<vmem>> -> memref<80x128xf32, #tpu.memory_space<vmem>>
    %dma_start3A_149 = arith.constant 0 : i32
    %dma_start3A_150 = tpu.memref_slice %arg6[%add3A_145, %dma_start3A_149] : memref<10000x128xf32, #tpu.memory_space<hbm>> -> memref<80x128xf32, #tpu.memory_space<hbm>>
    %dma_start3A_151 = arith.constant 0 : i32
    %dma_start3A_152 = arith.constant 0 : i32
    %dma_start3A_153 = tpu.memref_slice %arg16[%dma_start3A_151, %dma_start3A_152] : memref<80x128xf32, #tpu.memory_space<vmem>> -> memref<80x128xf32, #tpu.memory_space<vmem>>
    %dma_start3A_154 = arith.constant 0 : i32
    %dma_start3A_155 = tpu.memref_slice %arg6[%add3A_145, %dma_start3A_154] : memref<10000x128xf32, #tpu.memory_space<hbm>> -> memref<80x128xf32, #tpu.memory_space<hbm>>
    tpu.enqueue_dma source(%dma_start3A_155 : memref<80x128xf32, #tpu.memory_space<hbm>>) target(%dma_start3A_153 : memref<80x128xf32, #tpu.memory_space<vmem>>) target_semaphore(%arg21 : memref<!tpu.dma_semaphore, #tpu.memory_space<semaphore_mem>>)
    %dma_start3A_156 = arith.constant 0 : i32
    %dma_start3A_157 = arith.constant 0 : i32
    %dma_start3A_158 = tpu.memref_slice %arg17[%dma_start3A_156, %dma_start3A_157] : memref<80x128xf32, #tpu.memory_space<vmem>> -> memref<80x128xf32, #tpu.memory_space<vmem>>
    %dma_start3A_159 = arith.constant 80 : i32
    %dma_start3A_160 = tpu.memref_slice %arg12[%dma_start3A_159] : memref<320xi32, #tpu.memory_space<vmem>> -> memref<80xi32, #tpu.memory_space<vmem>>
    %dma_start3A_161 = arith.constant 0 : i32
    %dma_start3A_162 = arith.constant 0 : i32
    %dma_start3A_163 = tpu.memref_slice %arg14[%dma_start3A_161, %dma_start3A_162] : memref<100x128xf32, #tpu.memory_space<vmem_shared>> -> memref<100x128xf32, #tpu.memory_space<vmem_shared>>
    tpu.enqueue_indirect_dma source(%dma_start3A_163 : memref<100x128xf32, #tpu.memory_space<vmem_shared>>) target(%dma_start3A_158 : memref<80x128xf32, #tpu.memory_space<vmem>>) offsets(%dma_start3A_160 : memref<80xi32, #tpu.memory_space<vmem>>) semaphore(%arg22 : memref<!tpu.dma_semaphore, #tpu.memory_space<semaphore_mem>>)
    %add3A_164 = arith.constant 80 : i32
    %add3A_165 = arith.addi %mul3A_135, %add3A_164 : i32
    %dma_start3A_166 = arith.constant 0 : i32
    %dma_start3A_167 = arith.constant 0 : i32
    %dma_start3A_168 = tpu.memref_slice %arg18[%dma_start3A_166, %dma_start3A_167] : memref<80x128xf32, #tpu.memory_space<vmem>> -> memref<80x128xf32, #tpu.memory_space<vmem>>
    %dma_start3A_169 = arith.constant 0 : i32
    %dma_start3A_170 = tpu.memref_slice %arg6[%add3A_165, %dma_start3A_169] : memref<10000x128xf32, #tpu.memory_space<hbm>> -> memref<80x128xf32, #tpu.memory_space<hbm>>
    %dma_start3A_171 = arith.constant 0 : i32
    %dma_start3A_172 = arith.constant 0 : i32
    %dma_start3A_173 = tpu.memref_slice %arg18[%dma_start3A_171, %dma_start3A_172] : memref<80x128xf32, #tpu.memory_space<vmem>> -> memref<80x128xf32, #tpu.memory_space<vmem>>
    %dma_start3A_174 = arith.constant 0 : i32
    %dma_start3A_175 = tpu.memref_slice %arg6[%add3A_165, %dma_start3A_174] : memref<10000x128xf32, #tpu.memory_space<hbm>> -> memref<80x128xf32, #tpu.memory_space<hbm>>
    tpu.enqueue_dma source(%dma_start3A_175 : memref<80x128xf32, #tpu.memory_space<hbm>>) target(%dma_start3A_173 : memref<80x128xf32, #tpu.memory_space<vmem>>) target_semaphore(%arg23 : memref<!tpu.dma_semaphore, #tpu.memory_space<semaphore_mem>>)
    %dma_wait3A_176 = arith.constant 0 : i32
    %dma_wait3A_177 = arith.constant 0 : i32
    %dma_wait3A_178 = tpu.memref_slice %arg15[%dma_wait3A_176, %dma_wait3A_177] : memref<80x128xf32, #tpu.memory_space<vmem>> -> memref<80x128xf32, #tpu.memory_space<vmem>>
    %dma_wait3A_179 = arith.constant 0 : i32
    %dma_wait3A_180 = arith.constant 0 : i32
    %dma_wait3A_181 = tpu.memref_slice %arg8[%dma_wait3A_179, %dma_wait3A_180] : memref<10000x128xf32, #tpu.memory_space<hbm>> -> memref<80x128xf32, #tpu.memory_space<hbm>>
    %dma_wait3A_182 = arith.constant 0 : i32
    %dma_wait3A_183 = arith.constant 0 : i32
    %dma_wait3A_184 = tpu.memref_slice %arg15[%dma_wait3A_182, %dma_wait3A_183] : memref<80x128xf32, #tpu.memory_space<vmem>> -> memref<80x128xf32, #tpu.memory_space<vmem>>
    %dma_wait3A_185 = arith.constant 0 : i32
    %dma_wait3A_186 = arith.constant 0 : i32
    %dma_wait3A_187 = tpu.memref_slice %arg8[%dma_wait3A_185, %dma_wait3A_186] : memref<10000x128xf32, #tpu.memory_space<hbm>> -> memref<80x128xf32, #tpu.memory_space<hbm>>
    tpu.wait_dma2 semaphore(%arg20 : memref<!tpu.dma_semaphore, #tpu.memory_space<semaphore_mem>>) src(%dma_wait3A_187 : memref<80x128xf32, #tpu.memory_space<hbm>>) dst(%dma_wait3A_184 : memref<80x128xf32, #tpu.memory_space<vmem>>)
    %add3A_188 = arith.constant 0 : i32
    %add3A_189 = arith.addi %mul3A_135, %add3A_188 : i32
    "tpu.region"() ({
      %run_scoped3A = tpu.sem_alloc : memref<!tpu.dma_semaphore, #tpu.memory_space<semaphore_mem>>
      %dma_start3A_333 = arith.constant 0 : i32
      %dma_start3A_334 = arith.constant 0 : i32
      %dma_start3A_335 = tpu.memref_slice %arg15[%dma_start3A_333, %dma_start3A_334] : memref<80x128xf32, #tpu.memory_space<vmem>> -> memref<80x128xf32, #tpu.memory_space<vmem>>
      %dma_start3A_336 = arith.constant 0 : i32
      %dma_start3A_337 = tpu.memref_slice %arg8[%add3A_189, %dma_start3A_336] : memref<10000x128xf32, #tpu.memory_space<hbm>> -> memref<80x128xf32, #tpu.memory_space<hbm>>
      %dma_start3A_338 = arith.constant 0 : i32
      %dma_start3A_339 = tpu.memref_slice %arg8[%add3A_189, %dma_start3A_338] : memref<10000x128xf32, #tpu.memory_space<hbm>> -> memref<80x128xf32, #tpu.memory_space<hbm>>
      %dma_start3A_340 = arith.constant 0 : i32
      %dma_start3A_341 = arith.constant 0 : i32
      %dma_start3A_342 = tpu.memref_slice %arg15[%dma_start3A_340, %dma_start3A_341] : memref<80x128xf32, #tpu.memory_space<vmem>> -> memref<80x128xf32, #tpu.memory_space<vmem>>
      tpu.enqueue_dma source(%dma_start3A_342 : memref<80x128xf32, #tpu.memory_space<vmem>>) target(%dma_start3A_339 : memref<80x128xf32, #tpu.memory_space<hbm>>) target_semaphore(%run_scoped3A : memref<!tpu.dma_semaphore, #tpu.memory_space<semaphore_mem>>)
      %dma_wait3A_343 = arith.constant 0 : i32
      %dma_wait3A_344 = arith.constant 0 : i32
      %dma_wait3A_345 = tpu.memref_slice %arg15[%dma_wait3A_343, %dma_wait3A_344] : memref<80x128xf32, #tpu.memory_space<vmem>> -> memref<80x128xf32, #tpu.memory_space<vmem>>
      %dma_wait3A_346 = arith.constant 0 : i32
      %dma_wait3A_347 = tpu.memref_slice %arg8[%add3A_189, %dma_wait3A_346] : memref<10000x128xf32, #tpu.memory_space<hbm>> -> memref<80x128xf32, #tpu.memory_space<hbm>>
      %dma_wait3A_348 = arith.constant 0 : i32
      %dma_wait3A_349 = tpu.memref_slice %arg8[%add3A_189, %dma_wait3A_348] : memref<10000x128xf32, #tpu.memory_space<hbm>> -> memref<80x128xf32, #tpu.memory_space<hbm>>
      %dma_wait3A_350 = arith.constant 0 : i32
      %dma_wait3A_351 = arith.constant 0 : i32
      %dma_wait3A_352 = tpu.memref_slice %arg15[%dma_wait3A_350, %dma_wait3A_351] : memref<80x128xf32, #tpu.memory_space<vmem>> -> memref<80x128xf32, #tpu.memory_space<vmem>>
      tpu.wait_dma2 semaphore(%run_scoped3A : memref<!tpu.dma_semaphore, #tpu.memory_space<semaphore_mem>>) src(%dma_wait3A_352 : memref<80x128xf32, #tpu.memory_space<vmem>>) dst(%dma_wait3A_349 : memref<80x128xf32, #tpu.memory_space<hbm>>)
      tpu.yield
    }) : () -> ()
    %dma_wait3A_190 = arith.constant 0 : i32
    %dma_wait3A_191 = arith.constant 0 : i32
    %dma_wait3A_192 = tpu.memref_slice %arg16[%dma_wait3A_190, %dma_wait3A_191] : memref<80x128xf32, #tpu.memory_space<vmem>> -> memref<80x128xf32, #tpu.memory_space<vmem>>
    %dma_wait3A_193 = arith.constant 0 : i32
    %dma_wait3A_194 = arith.constant 0 : i32
    %dma_wait3A_195 = tpu.memref_slice %arg8[%dma_wait3A_193, %dma_wait3A_194] : memref<10000x128xf32, #tpu.memory_space<hbm>> -> memref<80x128xf32, #tpu.memory_space<hbm>>
    %dma_wait3A_196 = arith.constant 0 : i32
    %dma_wait3A_197 = arith.constant 0 : i32
    %dma_wait3A_198 = tpu.memref_slice %arg16[%dma_wait3A_196, %dma_wait3A_197] : memref<80x128xf32, #tpu.memory_space<vmem>> -> memref<80x128xf32, #tpu.memory_space<vmem>>
    %dma_wait3A_199 = arith.constant 0 : i32
    %dma_wait3A_200 = arith.constant 0 : i32
    %dma_wait3A_201 = tpu.memref_slice %arg8[%dma_wait3A_199, %dma_wait3A_200] : memref<10000x128xf32, #tpu.memory_space<hbm>> -> memref<80x128xf32, #tpu.memory_space<hbm>>
    tpu.wait_dma2 semaphore(%arg21 : memref<!tpu.dma_semaphore, #tpu.memory_space<semaphore_mem>>) src(%dma_wait3A_201 : memref<80x128xf32, #tpu.memory_space<hbm>>) dst(%dma_wait3A_198 : memref<80x128xf32, #tpu.memory_space<vmem>>)
    %add3A_202 = arith.constant 0 : i32
    %add3A_203 = arith.addi %mul3A_135, %add3A_202 : i32
    "tpu.region"() ({
      %run_scoped3A = tpu.sem_alloc : memref<!tpu.dma_semaphore, #tpu.memory_space<semaphore_mem>>
      %dma_start3A_333 = arith.constant 0 : i32
      %dma_start3A_334 = arith.constant 0 : i32
      %dma_start3A_335 = tpu.memref_slice %arg16[%dma_start3A_333, %dma_start3A_334] : memref<80x128xf32, #tpu.memory_space<vmem>> -> memref<80x128xf32, #tpu.memory_space<vmem>>
      %dma_start3A_336 = arith.constant 0 : i32
      %dma_start3A_337 = tpu.memref_slice %arg9[%add3A_203, %dma_start3A_336] : memref<10000x128xf32, #tpu.memory_space<hbm>> -> memref<80x128xf32, #tpu.memory_space<hbm>>
      %dma_start3A_338 = arith.constant 0 : i32
      %dma_start3A_339 = tpu.memref_slice %arg9[%add3A_203, %dma_start3A_338] : memref<10000x128xf32, #tpu.memory_space<hbm>> -> memref<80x128xf32, #tpu.memory_space<hbm>>
      %dma_start3A_340 = arith.constant 0 : i32
      %dma_start3A_341 = arith.constant 0 : i32
      %dma_start3A_342 = tpu.memref_slice %arg16[%dma_start3A_340, %dma_start3A_341] : memref<80x128xf32, #tpu.memory_space<vmem>> -> memref<80x128xf32, #tpu.memory_space<vmem>>
      tpu.enqueue_dma source(%dma_start3A_342 : memref<80x128xf32, #tpu.memory_space<vmem>>) target(%dma_start3A_339 : memref<80x128xf32, #tpu.memory_space<hbm>>) target_semaphore(%run_scoped3A : memref<!tpu.dma_semaphore, #tpu.memory_space<semaphore_mem>>)
      %dma_wait3A_343 = arith.constant 0 : i32
      %dma_wait3A_344 = arith.constant 0 : i32
      %dma_wait3A_345 = tpu.memref_slice %arg16[%dma_wait3A_343, %dma_wait3A_344] : memref<80x128xf32, #tpu.memory_space<vmem>> -> memref<80x128xf32, #tpu.memory_space<vmem>>
      %dma_wait3A_346 = arith.constant 0 : i32
      %dma_wait3A_347 = tpu.memref_slice %arg9[%add3A_203, %dma_wait3A_346] : memref<10000x128xf32, #tpu.memory_space<hbm>> -> memref<80x128xf32, #tpu.memory_space<hbm>>
      %dma_wait3A_348 = arith.constant 0 : i32
      %dma_wait3A_349 = tpu.memref_slice %arg9[%add3A_203, %dma_wait3A_348] : memref<10000x128xf32, #tpu.memory_space<hbm>> -> memref<80x128xf32, #tpu.memory_space<hbm>>
      %dma_wait3A_350 = arith.constant 0 : i32
      %dma_wait3A_351 = arith.constant 0 : i32
      %dma_wait3A_352 = tpu.memref_slice %arg16[%dma_wait3A_350, %dma_wait3A_351] : memref<80x128xf32, #tpu.memory_space<vmem>> -> memref<80x128xf32, #tpu.memory_space<vmem>>
      tpu.wait_dma2 semaphore(%run_scoped3A : memref<!tpu.dma_semaphore, #tpu.memory_space<semaphore_mem>>) src(%dma_wait3A_352 : memref<80x128xf32, #tpu.memory_space<vmem>>) dst(%dma_wait3A_349 : memref<80x128xf32, #tpu.memory_space<hbm>>)
      tpu.yield
    }) : () -> ()
    %dma_start3A_204 = arith.constant 0 : i32
    %dma_start3A_205 = arith.constant 0 : i32
    %dma_start3A_206 = tpu.memref_slice %arg15[%dma_start3A_204, %dma_start3A_205] : memref<80x128xf32, #tpu.memory_space<vmem>> -> memref<80x128xf32, #tpu.memory_space<vmem>>
    %dma_start3A_207 = arith.constant 160 : i32
    %dma_start3A_208 = tpu.memref_slice %arg12[%dma_start3A_207] : memref<320xi32, #tpu.memory_space<vmem>> -> memref<80xi32, #tpu.memory_space<vmem>>
    %dma_start3A_209 = arith.constant 0 : i32
    %dma_start3A_210 = arith.constant 0 : i32
    %dma_start3A_211 = tpu.memref_slice %arg14[%dma_start3A_209, %dma_start3A_210] : memref<100x128xf32, #tpu.memory_space<vmem_shared>> -> memref<100x128xf32, #tpu.memory_space<vmem_shared>>
    tpu.enqueue_indirect_dma source(%dma_start3A_211 : memref<100x128xf32, #tpu.memory_space<vmem_shared>>) target(%dma_start3A_206 : memref<80x128xf32, #tpu.memory_space<vmem>>) offsets(%dma_start3A_208 : memref<80xi32, #tpu.memory_space<vmem>>) semaphore(%arg20 : memref<!tpu.dma_semaphore, #tpu.memory_space<semaphore_mem>>)
    %add3A_212 = arith.constant 160 : i32
    %add3A_213 = arith.addi %mul3A_135, %add3A_212 : i32
    %dma_start3A_214 = arith.constant 0 : i32
    %dma_start3A_215 = arith.constant 0 : i32
    %dma_start3A_216 = tpu.memref_slice %arg16[%dma_start3A_214, %dma_start3A_215] : memref<80x128xf32, #tpu.memory_space<vmem>> -> memref<80x128xf32, #tpu.memory_space<vmem>>
    %dma_start3A_217 = arith.constant 0 : i32
    %dma_start3A_218 = tpu.memref_slice %arg6[%add3A_213, %dma_start3A_217] : memref<10000x128xf32, #tpu.memory_space<hbm>> -> memref<80x128xf32, #tpu.memory_space<hbm>>
    %dma_start3A_219 = arith.constant 0 : i32
    %dma_start3A_220 = arith.constant 0 : i32
    %dma_start3A_221 = tpu.memref_slice %arg16[%dma_start3A_219, %dma_start3A_220] : memref<80x128xf32, #tpu.memory_space<vmem>> -> memref<80x128xf32, #tpu.memory_space<vmem>>
    %dma_start3A_222 = arith.constant 0 : i32
    %dma_start3A_223 = tpu.memref_slice %arg6[%add3A_213, %dma_start3A_222] : memref<10000x128xf32, #tpu.memory_space<hbm>> -> memref<80x128xf32, #tpu.memory_space<hbm>>
    tpu.enqueue_dma source(%dma_start3A_223 : memref<80x128xf32, #tpu.memory_space<hbm>>) target(%dma_start3A_221 : memref<80x128xf32, #tpu.memory_space<vmem>>) target_semaphore(%arg21 : memref<!tpu.dma_semaphore, #tpu.memory_space<semaphore_mem>>)
    %dma_wait3A_224 = arith.constant 0 : i32
    %dma_wait3A_225 = arith.constant 0 : i32
    %dma_wait3A_226 = tpu.memref_slice %arg17[%dma_wait3A_224, %dma_wait3A_225] : memref<80x128xf32, #tpu.memory_space<vmem>> -> memref<80x128xf32, #tpu.memory_space<vmem>>
    %dma_wait3A_227 = arith.constant 0 : i32
    %dma_wait3A_228 = arith.constant 0 : i32
    %dma_wait3A_229 = tpu.memref_slice %arg8[%dma_wait3A_227, %dma_wait3A_228] : memref<10000x128xf32, #tpu.memory_space<hbm>> -> memref<80x128xf32, #tpu.memory_space<hbm>>
    %dma_wait3A_230 = arith.constant 0 : i32
    %dma_wait3A_231 = arith.constant 0 : i32
    %dma_wait3A_232 = tpu.memref_slice %arg17[%dma_wait3A_230, %dma_wait3A_231] : memref<80x128xf32, #tpu.memory_space<vmem>> -> memref<80x128xf32, #tpu.memory_space<vmem>>
    %dma_wait3A_233 = arith.constant 0 : i32
    %dma_wait3A_234 = arith.constant 0 : i32
    %dma_wait3A_235 = tpu.memref_slice %arg8[%dma_wait3A_233, %dma_wait3A_234] : memref<10000x128xf32, #tpu.memory_space<hbm>> -> memref<80x128xf32, #tpu.memory_space<hbm>>
    tpu.wait_dma2 semaphore(%arg22 : memref<!tpu.dma_semaphore, #tpu.memory_space<semaphore_mem>>) src(%dma_wait3A_235 : memref<80x128xf32, #tpu.memory_space<hbm>>) dst(%dma_wait3A_232 : memref<80x128xf32, #tpu.memory_space<vmem>>)
    %add3A_236 = arith.constant 80 : i32
    %add3A_237 = arith.addi %mul3A_135, %add3A_236 : i32
    "tpu.region"() ({
      %run_scoped3A = tpu.sem_alloc : memref<!tpu.dma_semaphore, #tpu.memory_space<semaphore_mem>>
      %dma_start3A_333 = arith.constant 0 : i32
      %dma_start3A_334 = arith.constant 0 : i32
      %dma_start3A_335 = tpu.memref_slice %arg17[%dma_start3A_333, %dma_start3A_334] : memref<80x128xf32, #tpu.memory_space<vmem>> -> memref<80x128xf32, #tpu.memory_space<vmem>>
      %dma_start3A_336 = arith.constant 0 : i32
      %dma_start3A_337 = tpu.memref_slice %arg8[%add3A_237, %dma_start3A_336] : memref<10000x128xf32, #tpu.memory_space<hbm>> -> memref<80x128xf32, #tpu.memory_space<hbm>>
      %dma_start3A_338 = arith.constant 0 : i32
      %dma_start3A_339 = tpu.memref_slice %arg8[%add3A_237, %dma_start3A_338] : memref<10000x128xf32, #tpu.memory_space<hbm>> -> memref<80x128xf32, #tpu.memory_space<hbm>>
      %dma_start3A_340 = arith.constant 0 : i32
      %dma_start3A_341 = arith.constant 0 : i32
      %dma_start3A_342 = tpu.memref_slice %arg17[%dma_start3A_340, %dma_start3A_341] : memref<80x128xf32, #tpu.memory_space<vmem>> -> memref<80x128xf32, #tpu.memory_space<vmem>>
      tpu.enqueue_dma source(%dma_start3A_342 : memref<80x128xf32, #tpu.memory_space<vmem>>) target(%dma_start3A_339 : memref<80x128xf32, #tpu.memory_space<hbm>>) target_semaphore(%run_scoped3A : memref<!tpu.dma_semaphore, #tpu.memory_space<semaphore_mem>>)
      %dma_wait3A_343 = arith.constant 0 : i32
      %dma_wait3A_344 = arith.constant 0 : i32
      %dma_wait3A_345 = tpu.memref_slice %arg17[%dma_wait3A_343, %dma_wait3A_344] : memref<80x128xf32, #tpu.memory_space<vmem>> -> memref<80x128xf32, #tpu.memory_space<vmem>>
      %dma_wait3A_346 = arith.constant 0 : i32
      %dma_wait3A_347 = tpu.memref_slice %arg8[%add3A_237, %dma_wait3A_346] : memref<10000x128xf32, #tpu.memory_space<hbm>> -> memref<80x128xf32, #tpu.memory_space<hbm>>
      %dma_wait3A_348 = arith.constant 0 : i32
      %dma_wait3A_349 = tpu.memref_slice %arg8[%add3A_237, %dma_wait3A_348] : memref<10000x128xf32, #tpu.memory_space<hbm>> -> memref<80x128xf32, #tpu.memory_space<hbm>>
      %dma_wait3A_350 = arith.constant 0 : i32
      %dma_wait3A_351 = arith.constant 0 : i32
      %dma_wait3A_352 = tpu.memref_slice %arg17[%dma_wait3A_350, %dma_wait3A_351] : memref<80x128xf32, #tpu.memory_space<vmem>> -> memref<80x128xf32, #tpu.memory_space<vmem>>
      tpu.wait_dma2 semaphore(%run_scoped3A : memref<!tpu.dma_semaphore, #tpu.memory_space<semaphore_mem>>) src(%dma_wait3A_352 : memref<80x128xf32, #tpu.memory_space<vmem>>) dst(%dma_wait3A_349 : memref<80x128xf32, #tpu.memory_space<hbm>>)
      tpu.yield
    }) : () -> ()
    %dma_wait3A_238 = arith.constant 0 : i32
    %dma_wait3A_239 = arith.constant 0 : i32
    %dma_wait3A_240 = tpu.memref_slice %arg18[%dma_wait3A_238, %dma_wait3A_239] : memref<80x128xf32, #tpu.memory_space<vmem>> -> memref<80x128xf32, #tpu.memory_space<vmem>>
    %dma_wait3A_241 = arith.constant 0 : i32
    %dma_wait3A_242 = arith.constant 0 : i32
    %dma_wait3A_243 = tpu.memref_slice %arg8[%dma_wait3A_241, %dma_wait3A_242] : memref<10000x128xf32, #tpu.memory_space<hbm>> -> memref<80x128xf32, #tpu.memory_space<hbm>>
    %dma_wait3A_244 = arith.constant 0 : i32
    %dma_wait3A_245 = arith.constant 0 : i32
    %dma_wait3A_246 = tpu.memref_slice %arg18[%dma_wait3A_244, %dma_wait3A_245] : memref<80x128xf32, #tpu.memory_space<vmem>> -> memref<80x128xf32, #tpu.memory_space<vmem>>
    %dma_wait3A_247 = arith.constant 0 : i32
    %dma_wait3A_248 = arith.constant 0 : i32
    %dma_wait3A_249 = tpu.memref_slice %arg8[%dma_wait3A_247, %dma_wait3A_248] : memref<10000x128xf32, #tpu.memory_space<hbm>> -> memref<80x128xf32, #tpu.memory_space<hbm>>
    tpu.wait_dma2 semaphore(%arg23 : memref<!tpu.dma_semaphore, #tpu.memory_space<semaphore_mem>>) src(%dma_wait3A_249 : memref<80x128xf32, #tpu.memory_space<hbm>>) dst(%dma_wait3A_246 : memref<80x128xf32, #tpu.memory_space<vmem>>)
    %add3A_250 = arith.constant 80 : i32
    %add3A_251 = arith.addi %mul3A_135, %add3A_250 : i32
    "tpu.region"() ({
      %run_scoped3A = tpu.sem_alloc : memref<!tpu.dma_semaphore, #tpu.memory_space<semaphore_mem>>
      %dma_start3A_333 = arith.constant 0 : i32
      %dma_start3A_334 = arith.constant 0 : i32
      %dma_start3A_335 = tpu.memref_slice %arg18[%dma_start3A_333, %dma_start3A_334] : memref<80x128xf32, #tpu.memory_space<vmem>> -> memref<80x128xf32, #tpu.memory_space<vmem>>
      %dma_start3A_336 = arith.constant 0 : i32
      %dma_start3A_337 = tpu.memref_slice %arg9[%add3A_251, %dma_start3A_336] : memref<10000x128xf32, #tpu.memory_space<hbm>> -> memref<80x128xf32, #tpu.memory_space<hbm>>
      %dma_start3A_338 = arith.constant 0 : i32
      %dma_start3A_339 = tpu.memref_slice %arg9[%add3A_251, %dma_start3A_338] : memref<10000x128xf32, #tpu.memory_space<hbm>> -> memref<80x128xf32, #tpu.memory_space<hbm>>
      %dma_start3A_340 = arith.constant 0 : i32
      %dma_start3A_341 = arith.constant 0 : i32
      %dma_start3A_342 = tpu.memref_slice %arg18[%dma_start3A_340, %dma_start3A_341] : memref<80x128xf32, #tpu.memory_space<vmem>> -> memref<80x128xf32, #tpu.memory_space<vmem>>
      tpu.enqueue_dma source(%dma_start3A_342 : memref<80x128xf32, #tpu.memory_space<vmem>>) target(%dma_start3A_339 : memref<80x128xf32, #tpu.memory_space<hbm>>) target_semaphore(%run_scoped3A : memref<!tpu.dma_semaphore, #tpu.memory_space<semaphore_mem>>)
      %dma_wait3A_343 = arith.constant 0 : i32
      %dma_wait3A_344 = arith.constant 0 : i32
      %dma_wait3A_345 = tpu.memref_slice %arg18[%dma_wait3A_343, %dma_wait3A_344] : memref<80x128xf32, #tpu.memory_space<vmem>> -> memref<80x128xf32, #tpu.memory_space<vmem>>
      %dma_wait3A_346 = arith.constant 0 : i32
      %dma_wait3A_347 = tpu.memref_slice %arg9[%add3A_251, %dma_wait3A_346] : memref<10000x128xf32, #tpu.memory_space<hbm>> -> memref<80x128xf32, #tpu.memory_space<hbm>>
      %dma_wait3A_348 = arith.constant 0 : i32
      %dma_wait3A_349 = tpu.memref_slice %arg9[%add3A_251, %dma_wait3A_348] : memref<10000x128xf32, #tpu.memory_space<hbm>> -> memref<80x128xf32, #tpu.memory_space<hbm>>
      %dma_wait3A_350 = arith.constant 0 : i32
      %dma_wait3A_351 = arith.constant 0 : i32
      %dma_wait3A_352 = tpu.memref_slice %arg18[%dma_wait3A_350, %dma_wait3A_351] : memref<80x128xf32, #tpu.memory_space<vmem>> -> memref<80x128xf32, #tpu.memory_space<vmem>>
      tpu.wait_dma2 semaphore(%run_scoped3A : memref<!tpu.dma_semaphore, #tpu.memory_space<semaphore_mem>>) src(%dma_wait3A_352 : memref<80x128xf32, #tpu.memory_space<vmem>>) dst(%dma_wait3A_349 : memref<80x128xf32, #tpu.memory_space<hbm>>)
      tpu.yield
    }) : () -> ()
    %dma_start3A_252 = arith.constant 0 : i32
    %dma_start3A_253 = arith.constant 0 : i32
    %dma_start3A_254 = tpu.memref_slice %arg17[%dma_start3A_252, %dma_start3A_253] : memref<80x128xf32, #tpu.memory_space<vmem>> -> memref<72x128xf32, #tpu.memory_space<vmem>>
    %dma_start3A_255 = arith.constant 240 : i32
    %dma_start3A_256 = tpu.memref_slice %arg12[%dma_start3A_255] : memref<320xi32, #tpu.memory_space<vmem>> -> memref<72xi32, #tpu.memory_space<vmem>>
    %dma_start3A_257 = arith.constant 0 : i32
    %dma_start3A_258 = arith.constant 0 : i32
    %dma_start3A_259 = tpu.memref_slice %arg14[%dma_start3A_257, %dma_start3A_258] : memref<100x128xf32, #tpu.memory_space<vmem_shared>> -> memref<100x128xf32, #tpu.memory_space<vmem_shared>>
    tpu.enqueue_indirect_dma source(%dma_start3A_259 : memref<100x128xf32, #tpu.memory_space<vmem_shared>>) target(%dma_start3A_254 : memref<72x128xf32, #tpu.memory_space<vmem>>) offsets(%dma_start3A_256 : memref<72xi32, #tpu.memory_space<vmem>>) semaphore(%arg22 : memref<!tpu.dma_semaphore, #tpu.memory_space<semaphore_mem>>)
    %add3A_260 = arith.constant 240 : i32
    %add3A_261 = arith.addi %mul3A_135, %add3A_260 : i32
    %dma_start3A_262 = arith.constant 0 : i32
    %dma_start3A_263 = arith.constant 0 : i32
    %dma_start3A_264 = tpu.memref_slice %arg18[%dma_start3A_262, %dma_start3A_263] : memref<80x128xf32, #tpu.memory_space<vmem>> -> memref<72x128xf32, #tpu.memory_space<vmem>>
    %dma_start3A_265 = arith.constant 0 : i32
    %dma_start3A_266 = tpu.memref_slice %arg6[%add3A_261, %dma_start3A_265] : memref<10000x128xf32, #tpu.memory_space<hbm>> -> memref<72x128xf32, #tpu.memory_space<hbm>>
    %dma_start3A_267 = arith.constant 0 : i32
    %dma_start3A_268 = arith.constant 0 : i32
    %dma_start3A_269 = tpu.memref_slice %arg18[%dma_start3A_267, %dma_start3A_268] : memref<80x128xf32, #tpu.memory_space<vmem>> -> memref<72x128xf32, #tpu.memory_space<vmem>>
    %dma_start3A_270 = arith.constant 0 : i32
    %dma_start3A_271 = tpu.memref_slice %arg6[%add3A_261, %dma_start3A_270] : memref<10000x128xf32, #tpu.memory_space<hbm>> -> memref<72x128xf32, #tpu.memory_space<hbm>>
    tpu.enqueue_dma source(%dma_start3A_271 : memref<72x128xf32, #tpu.memory_space<hbm>>) target(%dma_start3A_269 : memref<72x128xf32, #tpu.memory_space<vmem>>) target_semaphore(%arg23 : memref<!tpu.dma_semaphore, #tpu.memory_space<semaphore_mem>>)
    %dma_wait3A_272 = arith.constant 0 : i32
    %dma_wait3A_273 = arith.constant 0 : i32
    %dma_wait3A_274 = tpu.memref_slice %arg15[%dma_wait3A_272, %dma_wait3A_273] : memref<80x128xf32, #tpu.memory_space<vmem>> -> memref<80x128xf32, #tpu.memory_space<vmem>>
    %dma_wait3A_275 = arith.constant 0 : i32
    %dma_wait3A_276 = arith.constant 0 : i32
    %dma_wait3A_277 = tpu.memref_slice %arg8[%dma_wait3A_275, %dma_wait3A_276] : memref<10000x128xf32, #tpu.memory_space<hbm>> -> memref<80x128xf32, #tpu.memory_space<hbm>>
    %dma_wait3A_278 = arith.constant 0 : i32
    %dma_wait3A_279 = arith.constant 0 : i32
    %dma_wait3A_280 = tpu.memref_slice %arg15[%dma_wait3A_278, %dma_wait3A_279] : memref<80x128xf32, #tpu.memory_space<vmem>> -> memref<80x128xf32, #tpu.memory_space<vmem>>
    %dma_wait3A_281 = arith.constant 0 : i32
    %dma_wait3A_282 = arith.constant 0 : i32
    %dma_wait3A_283 = tpu.memref_slice %arg8[%dma_wait3A_281, %dma_wait3A_282] : memref<10000x128xf32, #tpu.memory_space<hbm>> -> memref<80x128xf32, #tpu.memory_space<hbm>>
    tpu.wait_dma2 semaphore(%arg20 : memref<!tpu.dma_semaphore, #tpu.memory_space<semaphore_mem>>) src(%dma_wait3A_283 : memref<80x128xf32, #tpu.memory_space<hbm>>) dst(%dma_wait3A_280 : memref<80x128xf32, #tpu.memory_space<vmem>>)
    %add3A_284 = arith.constant 160 : i32
    %add3A_285 = arith.addi %mul3A_135, %add3A_284 : i32
    "tpu.region"() ({
      %run_scoped3A = tpu.sem_alloc : memref<!tpu.dma_semaphore, #tpu.memory_space<semaphore_mem>>
      %dma_start3A_333 = arith.constant 0 : i32
      %dma_start3A_334 = arith.constant 0 : i32
      %dma_start3A_335 = tpu.memref_slice %arg15[%dma_start3A_333, %dma_start3A_334] : memref<80x128xf32, #tpu.memory_space<vmem>> -> memref<80x128xf32, #tpu.memory_space<vmem>>
      %dma_start3A_336 = arith.constant 0 : i32
      %dma_start3A_337 = tpu.memref_slice %arg8[%add3A_285, %dma_start3A_336] : memref<10000x128xf32, #tpu.memory_space<hbm>> -> memref<80x128xf32, #tpu.memory_space<hbm>>
      %dma_start3A_338 = arith.constant 0 : i32
      %dma_start3A_339 = tpu.memref_slice %arg8[%add3A_285, %dma_start3A_338] : memref<10000x128xf32, #tpu.memory_space<hbm>> -> memref<80x128xf32, #tpu.memory_space<hbm>>
      %dma_start3A_340 = arith.constant 0 : i32
      %dma_start3A_341 = arith.constant 0 : i32
      %dma_start3A_342 = tpu.memref_slice %arg15[%dma_start3A_340, %dma_start3A_341] : memref<80x128xf32, #tpu.memory_space<vmem>> -> memref<80x128xf32, #tpu.memory_space<vmem>>
      tpu.enqueue_dma source(%dma_start3A_342 : memref<80x128xf32, #tpu.memory_space<vmem>>) target(%dma_start3A_339 : memref<80x128xf32, #tpu.memory_space<hbm>>) target_semaphore(%run_scoped3A : memref<!tpu.dma_semaphore, #tpu.memory_space<semaphore_mem>>)
      %dma_wait3A_343 = arith.constant 0 : i32
      %dma_wait3A_344 = arith.constant 0 : i32
      %dma_wait3A_345 = tpu.memref_slice %arg15[%dma_wait3A_343, %dma_wait3A_344] : memref<80x128xf32, #tpu.memory_space<vmem>> -> memref<80x128xf32, #tpu.memory_space<vmem>>
      %dma_wait3A_346 = arith.constant 0 : i32
      %dma_wait3A_347 = tpu.memref_slice %arg8[%add3A_285, %dma_wait3A_346] : memref<10000x128xf32, #tpu.memory_space<hbm>> -> memref<80x128xf32, #tpu.memory_space<hbm>>
      %dma_wait3A_348 = arith.constant 0 : i32
      %dma_wait3A_349 = tpu.memref_slice %arg8[%add3A_285, %dma_wait3A_348] : memref<10000x128xf32, #tpu.memory_space<hbm>> -> memref<80x128xf32, #tpu.memory_space<hbm>>
      %dma_wait3A_350 = arith.constant 0 : i32
      %dma_wait3A_351 = arith.constant 0 : i32
      %dma_wait3A_352 = tpu.memref_slice %arg15[%dma_wait3A_350, %dma_wait3A_351] : memref<80x128xf32, #tpu.memory_space<vmem>> -> memref<80x128xf32, #tpu.memory_space<vmem>>
      tpu.wait_dma2 semaphore(%run_scoped3A : memref<!tpu.dma_semaphore, #tpu.memory_space<semaphore_mem>>) src(%dma_wait3A_352 : memref<80x128xf32, #tpu.memory_space<vmem>>) dst(%dma_wait3A_349 : memref<80x128xf32, #tpu.memory_space<hbm>>)
      tpu.yield
    }) : () -> ()
    %dma_wait3A_286 = arith.constant 0 : i32
    %dma_wait3A_287 = arith.constant 0 : i32
    %dma_wait3A_288 = tpu.memref_slice %arg16[%dma_wait3A_286, %dma_wait3A_287] : memref<80x128xf32, #tpu.memory_space<vmem>> -> memref<80x128xf32, #tpu.memory_space<vmem>>
    %dma_wait3A_289 = arith.constant 0 : i32
    %dma_wait3A_290 = arith.constant 0 : i32
    %dma_wait3A_291 = tpu.memref_slice %arg8[%dma_wait3A_289, %dma_wait3A_290] : memref<10000x128xf32, #tpu.memory_space<hbm>> -> memref<80x128xf32, #tpu.memory_space<hbm>>
    %dma_wait3A_292 = arith.constant 0 : i32
    %dma_wait3A_293 = arith.constant 0 : i32
    %dma_wait3A_294 = tpu.memref_slice %arg16[%dma_wait3A_292, %dma_wait3A_293] : memref<80x128xf32, #tpu.memory_space<vmem>> -> memref<80x128xf32, #tpu.memory_space<vmem>>
    %dma_wait3A_295 = arith.constant 0 : i32
    %dma_wait3A_296 = arith.constant 0 : i32
    %dma_wait3A_297 = tpu.memref_slice %arg8[%dma_wait3A_295, %dma_wait3A_296] : memref<10000x128xf32, #tpu.memory_space<hbm>> -> memref<80x128xf32, #tpu.memory_space<hbm>>
    tpu.wait_dma2 semaphore(%arg21 : memref<!tpu.dma_semaphore, #tpu.memory_space<semaphore_mem>>) src(%dma_wait3A_297 : memref<80x128xf32, #tpu.memory_space<hbm>>) dst(%dma_wait3A_294 : memref<80x128xf32, #tpu.memory_space<vmem>>)
    %add3A_298 = arith.constant 160 : i32
    %add3A_299 = arith.addi %mul3A_135, %add3A_298 : i32
    "tpu.region"() ({
      %run_scoped3A = tpu.sem_alloc : memref<!tpu.dma_semaphore, #tpu.memory_space<semaphore_mem>>
      %dma_start3A_333 = arith.constant 0 : i32
      %dma_start3A_334 = arith.constant 0 : i32
      %dma_start3A_335 = tpu.memref_slice %arg16[%dma_start3A_333, %dma_start3A_334] : memref<80x128xf32, #tpu.memory_space<vmem>> -> memref<80x128xf32, #tpu.memory_space<vmem>>
      %dma_start3A_336 = arith.constant 0 : i32
      %dma_start3A_337 = tpu.memref_slice %arg9[%add3A_299, %dma_start3A_336] : memref<10000x128xf32, #tpu.memory_space<hbm>> -> memref<80x128xf32, #tpu.memory_space<hbm>>
      %dma_start3A_338 = arith.constant 0 : i32
      %dma_start3A_339 = tpu.memref_slice %arg9[%add3A_299, %dma_start3A_338] : memref<10000x128xf32, #tpu.memory_space<hbm>> -> memref<80x128xf32, #tpu.memory_space<hbm>>
      %dma_start3A_340 = arith.constant 0 : i32
      %dma_start3A_341 = arith.constant 0 : i32
      %dma_start3A_342 = tpu.memref_slice %arg16[%dma_start3A_340, %dma_start3A_341] : memref<80x128xf32, #tpu.memory_space<vmem>> -> memref<80x128xf32, #tpu.memory_space<vmem>>
      tpu.enqueue_dma source(%dma_start3A_342 : memref<80x128xf32, #tpu.memory_space<vmem>>) target(%dma_start3A_339 : memref<80x128xf32, #tpu.memory_space<hbm>>) target_semaphore(%run_scoped3A : memref<!tpu.dma_semaphore, #tpu.memory_space<semaphore_mem>>)
      %dma_wait3A_343 = arith.constant 0 : i32
      %dma_wait3A_344 = arith.constant 0 : i32
      %dma_wait3A_345 = tpu.memref_slice %arg16[%dma_wait3A_343, %dma_wait3A_344] : memref<80x128xf32, #tpu.memory_space<vmem>> -> memref<80x128xf32, #tpu.memory_space<vmem>>
      %dma_wait3A_346 = arith.constant 0 : i32
      %dma_wait3A_347 = tpu.memref_slice %arg9[%add3A_299, %dma_wait3A_346] : memref<10000x128xf32, #tpu.memory_space<hbm>> -> memref<80x128xf32, #tpu.memory_space<hbm>>
      %dma_wait3A_348 = arith.constant 0 : i32
      %dma_wait3A_349 = tpu.memref_slice %arg9[%add3A_299, %dma_wait3A_348] : memref<10000x128xf32, #tpu.memory_space<hbm>> -> memref<80x128xf32, #tpu.memory_space<hbm>>
      %dma_wait3A_350 = arith.constant 0 : i32
      %dma_wait3A_351 = arith.constant 0 : i32
      %dma_wait3A_352 = tpu.memref_slice %arg16[%dma_wait3A_350, %dma_wait3A_351] : memref<80x128xf32, #tpu.memory_space<vmem>> -> memref<80x128xf32, #tpu.memory_space<vmem>>
      tpu.wait_dma2 semaphore(%run_scoped3A : memref<!tpu.dma_semaphore, #tpu.memory_space<semaphore_mem>>) src(%dma_wait3A_352 : memref<80x128xf32, #tpu.memory_space<vmem>>) dst(%dma_wait3A_349 : memref<80x128xf32, #tpu.memory_space<hbm>>)
      tpu.yield
    }) : () -> ()
    %dma_wait3A_300 = arith.constant 0 : i32
    %dma_wait3A_301 = arith.constant 0 : i32
    %dma_wait3A_302 = tpu.memref_slice %arg17[%dma_wait3A_300, %dma_wait3A_301] : memref<80x128xf32, #tpu.memory_space<vmem>> -> memref<72x128xf32, #tpu.memory_space<vmem>>
    %dma_wait3A_303 = arith.constant 0 : i32
    %dma_wait3A_304 = arith.constant 0 : i32
    %dma_wait3A_305 = tpu.memref_slice %arg8[%dma_wait3A_303, %dma_wait3A_304] : memref<10000x128xf32, #tpu.memory_space<hbm>> -> memref<72x128xf32, #tpu.memory_space<hbm>>
    %dma_wait3A_306 = arith.constant 0 : i32
    %dma_wait3A_307 = arith.constant 0 : i32
    %dma_wait3A_308 = tpu.memref_slice %arg17[%dma_wait3A_306, %dma_wait3A_307] : memref<80x128xf32, #tpu.memory_space<vmem>> -> memref<72x128xf32, #tpu.memory_space<vmem>>
    %dma_wait3A_309 = arith.constant 0 : i32
    %dma_wait3A_310 = arith.constant 0 : i32
    %dma_wait3A_311 = tpu.memref_slice %arg8[%dma_wait3A_309, %dma_wait3A_310] : memref<10000x128xf32, #tpu.memory_space<hbm>> -> memref<72x128xf32, #tpu.memory_space<hbm>>
    tpu.wait_dma2 semaphore(%arg22 : memref<!tpu.dma_semaphore, #tpu.memory_space<semaphore_mem>>) src(%dma_wait3A_311 : memref<72x128xf32, #tpu.memory_space<hbm>>) dst(%dma_wait3A_308 : memref<72x128xf32, #tpu.memory_space<vmem>>)
    %add3A_312 = arith.constant 240 : i32
    %add3A_313 = arith.addi %mul3A_135, %add3A_312 : i32
    "tpu.region"() ({
      %run_scoped3A = tpu.sem_alloc : memref<!tpu.dma_semaphore, #tpu.memory_space<semaphore_mem>>
      %dma_start3A_333 = arith.constant 0 : i32
      %dma_start3A_334 = arith.constant 0 : i32
      %dma_start3A_335 = tpu.memref_slice %arg17[%dma_start3A_333, %dma_start3A_334] : memref<80x128xf32, #tpu.memory_space<vmem>> -> memref<72x128xf32, #tpu.memory_space<vmem>>
      %dma_start3A_336 = arith.constant 0 : i32
      %dma_start3A_337 = tpu.memref_slice %arg8[%add3A_313, %dma_start3A_336] : memref<10000x128xf32, #tpu.memory_space<hbm>> -> memref<72x128xf32, #tpu.memory_space<hbm>>
      %dma_start3A_338 = arith.constant 0 : i32
      %dma_start3A_339 = tpu.memref_slice %arg8[%add3A_313, %dma_start3A_338] : memref<10000x128xf32, #tpu.memory_space<hbm>> -> memref<72x128xf32, #tpu.memory_space<hbm>>
      %dma_start3A_340 = arith.constant 0 : i32
      %dma_start3A_341 = arith.constant 0 : i32
      %dma_start3A_342 = tpu.memref_slice %arg17[%dma_start3A_340, %dma_start3A_341] : memref<80x128xf32, #tpu.memory_space<vmem>> -> memref<72x128xf32, #tpu.memory_space<vmem>>
      tpu.enqueue_dma source(%dma_start3A_342 : memref<72x128xf32, #tpu.memory_space<vmem>>) target(%dma_start3A_339 : memref<72x128xf32, #tpu.memory_space<hbm>>) target_semaphore(%run_scoped3A : memref<!tpu.dma_semaphore, #tpu.memory_space<semaphore_mem>>)
      %dma_wait3A_343 = arith.constant 0 : i32
      %dma_wait3A_344 = arith.constant 0 : i32
      %dma_wait3A_345 = tpu.memref_slice %arg17[%dma_wait3A_343, %dma_wait3A_344] : memref<80x128xf32, #tpu.memory_space<vmem>> -> memref<72x128xf32, #tpu.memory_space<vmem>>
      %dma_wait3A_346 = arith.constant 0 : i32
      %dma_wait3A_347 = tpu.memref_slice %arg8[%add3A_313, %dma_wait3A_346] : memref<10000x128xf32, #tpu.memory_space<hbm>> -> memref<72x128xf32, #tpu.memory_space<hbm>>
      %dma_wait3A_348 = arith.constant 0 : i32
      %dma_wait3A_349 = tpu.memref_slice %arg8[%add3A_313, %dma_wait3A_348] : memref<10000x128xf32, #tpu.memory_space<hbm>> -> memref<72x128xf32, #tpu.memory_space<hbm>>
      %dma_wait3A_350 = arith.constant 0 : i32
      %dma_wait3A_351 = arith.constant 0 : i32
      %dma_wait3A_352 = tpu.memref_slice %arg17[%dma_wait3A_350, %dma_wait3A_351] : memref<80x128xf32, #tpu.memory_space<vmem>> -> memref<72x128xf32, #tpu.memory_space<vmem>>
      tpu.wait_dma2 semaphore(%run_scoped3A : memref<!tpu.dma_semaphore, #tpu.memory_space<semaphore_mem>>) src(%dma_wait3A_352 : memref<72x128xf32, #tpu.memory_space<vmem>>) dst(%dma_wait3A_349 : memref<72x128xf32, #tpu.memory_space<hbm>>)
      tpu.yield
    }) : () -> ()
    %dma_wait3A_314 = arith.constant 0 : i32
    %dma_wait3A_315 = arith.constant 0 : i32
    %dma_wait3A_316 = tpu.memref_slice %arg18[%dma_wait3A_314, %dma_wait3A_315] : memref<80x128xf32, #tpu.memory_space<vmem>> -> memref<72x128xf32, #tpu.memory_space<vmem>>
    %dma_wait3A_317 = arith.constant 0 : i32
    %dma_wait3A_318 = arith.constant 0 : i32
    %dma_wait3A_319 = tpu.memref_slice %arg8[%dma_wait3A_317, %dma_wait3A_318] : memref<10000x128xf32, #tpu.memory_space<hbm>> -> memref<72x128xf32, #tpu.memory_space<hbm>>
    %dma_wait3A_320 = arith.constant 0 : i32
    %dma_wait3A_321 = arith.constant 0 : i32
    %dma_wait3A_322 = tpu.memref_slice %arg18[%dma_wait3A_320, %dma_wait3A_321] : memref<80x128xf32, #tpu.memory_space<vmem>> -> memref<72x128xf32, #tpu.memory_space<vmem>>
    %dma_wait3A_323 = arith.constant 0 : i32
    %dma_wait3A_324 = arith.constant 0 : i32
    %dma_wait3A_325 = tpu.memref_slice %arg8[%dma_wait3A_323, %dma_wait3A_324] : memref<10000x128xf32, #tpu.memory_space<hbm>> -> memref<72x128xf32, #tpu.memory_space<hbm>>
    tpu.wait_dma2 semaphore(%arg23 : memref<!tpu.dma_semaphore, #tpu.memory_space<semaphore_mem>>) src(%dma_wait3A_325 : memref<72x128xf32, #tpu.memory_space<hbm>>) dst(%dma_wait3A_322 : memref<72x128xf32, #tpu.memory_space<vmem>>)
    %add3A_326 = arith.constant 240 : i32
    %add3A_327 = arith.addi %mul3A_135, %add3A_326 : i32
    "tpu.region"() ({
      %run_scoped3A = tpu.sem_alloc : memref<!tpu.dma_semaphore, #tpu.memory_space<semaphore_mem>>
      %dma_start3A_333 = arith.constant 0 : i32
      %dma_start3A_334 = arith.constant 0 : i32
      %dma_start3A_335 = tpu.memref_slice %arg18[%dma_start3A_333, %dma_start3A_334] : memref<80x128xf32, #tpu.memory_space<vmem>> -> memref<72x128xf32, #tpu.memory_space<vmem>>
      %dma_start3A_336 = arith.constant 0 : i32
      %dma_start3A_337 = tpu.memref_slice %arg9[%add3A_327, %dma_start3A_336] : memref<10000x128xf32, #tpu.memory_space<hbm>> -> memref<72x128xf32, #tpu.memory_space<hbm>>
      %dma_start3A_338 = arith.constant 0 : i32
      %dma_start3A_339 = tpu.memref_slice %arg9[%add3A_327, %dma_start3A_338] : memref<10000x128xf32, #tpu.memory_space<hbm>> -> memref<72x128xf32, #tpu.memory_space<hbm>>
      %dma_start3A_340 = arith.constant 0 : i32
      %dma_start3A_341 = arith.constant 0 : i32
      %dma_start3A_342 = tpu.memref_slice %arg18[%dma_start3A_340, %dma_start3A_341] : memref<80x128xf32, #tpu.memory_space<vmem>> -> memref<72x128xf32, #tpu.memory_space<vmem>>
      tpu.enqueue_dma source(%dma_start3A_342 : memref<72x128xf32, #tpu.memory_space<vmem>>) target(%dma_start3A_339 : memref<72x128xf32, #tpu.memory_space<hbm>>) target_semaphore(%run_scoped3A : memref<!tpu.dma_semaphore, #tpu.memory_space<semaphore_mem>>)
      %dma_wait3A_343 = arith.constant 0 : i32
      %dma_wait3A_344 = arith.constant 0 : i32
      %dma_wait3A_345 = tpu.memref_slice %arg18[%dma_wait3A_343, %dma_wait3A_344] : memref<80x128xf32, #tpu.memory_space<vmem>> -> memref<72x128xf32, #tpu.memory_space<vmem>>
      %dma_wait3A_346 = arith.constant 0 : i32
      %dma_wait3A_347 = tpu.memref_slice %arg9[%add3A_327, %dma_wait3A_346] : memref<10000x128xf32, #tpu.memory_space<hbm>> -> memref<72x128xf32, #tpu.memory_space<hbm>>
      %dma_wait3A_348 = arith.constant 0 : i32
      %dma_wait3A_349 = tpu.memref_slice %arg9[%add3A_327, %dma_wait3A_348] : memref<10000x128xf32, #tpu.memory_space<hbm>> -> memref<72x128xf32, #tpu.memory_space<hbm>>
      %dma_wait3A_350 = arith.constant 0 : i32
      %dma_wait3A_351 = arith.constant 0 : i32
      %dma_wait3A_352 = tpu.memref_slice %arg18[%dma_wait3A_350, %dma_wait3A_351] : memref<80x128xf32, #tpu.memory_space<vmem>> -> memref<72x128xf32, #tpu.memory_space<vmem>>
      tpu.wait_dma2 semaphore(%run_scoped3A : memref<!tpu.dma_semaphore, #tpu.memory_space<semaphore_mem>>) src(%dma_wait3A_352 : memref<72x128xf32, #tpu.memory_space<vmem>>) dst(%dma_wait3A_349 : memref<72x128xf32, #tpu.memory_space<hbm>>)
      tpu.yield
    }) : () -> ()
    %eq3A_328 = arith.constant 31 : i32
    %eq3A_329 = arith.cmpi eq, %add3A, %eq3A_328 : i32
    %convert_element_type3A_330 = arith.extui %eq3A_329 : i1 to i32
    %cond3A_331 = arith.constant 0 : i32
    %cond3A_332 = arith.cmpi ne, %convert_element_type3A_330, %cond3A_331 : i32
    scf.if %cond3A_332 {
      "tpu.region"() ({
        %run_scoped3A = tpu.sem_alloc : memref<!tpu.dma_semaphore, #tpu.memory_space<semaphore_mem>>
        %dma_start3A_377 = arith.constant 0 : i32
        %dma_start3A_378 = tpu.memref_slice %arg12[%dma_start3A_377] : memref<320xi32, #tpu.memory_space<vmem>> -> memref<16xi32, #tpu.memory_space<vmem>>
        %dma_start3A_379 = arith.constant 9984 : i32
        %dma_start3A_380 = tpu.memref_slice %arg3[%dma_start3A_379] : memref<10000xi32, #tpu.memory_space<hbm>> -> memref<16xi32, #tpu.memory_space<hbm>>
        %dma_start3A_381 = arith.constant 0 : i32
        %dma_start3A_382 = tpu.memref_slice %arg12[%dma_start3A_381] : memref<320xi32, #tpu.memory_space<vmem>> -> memref<16xi32, #tpu.memory_space<vmem>>
        %dma_start3A_383 = arith.constant 9984 : i32
        %dma_start3A_384 = tpu.memref_slice %arg3[%dma_start3A_383] : memref<10000xi32, #tpu.memory_space<hbm>> -> memref<16xi32, #tpu.memory_space<hbm>>
        tpu.enqueue_dma source(%dma_start3A_384 : memref<16xi32, #tpu.memory_space<hbm>>) target(%dma_start3A_382 : memref<16xi32, #tpu.memory_space<vmem>>) target_semaphore(%run_scoped3A : memref<!tpu.dma_semaphore, #tpu.memory_space<semaphore_mem>>)
        %dma_wait3A_385 = arith.constant 0 : i32
        %dma_wait3A_386 = tpu.memref_slice %arg12[%dma_wait3A_385] : memref<320xi32, #tpu.memory_space<vmem>> -> memref<16xi32, #tpu.memory_space<vmem>>
        %dma_wait3A_387 = arith.constant 9984 : i32
        %dma_wait3A_388 = tpu.memref_slice %arg3[%dma_wait3A_387] : memref<10000xi32, #tpu.memory_space<hbm>> -> memref<16xi32, #tpu.memory_space<hbm>>
        %dma_wait3A_389 = arith.constant 0 : i32
        %dma_wait3A_390 = tpu.memref_slice %arg12[%dma_wait3A_389] : memref<320xi32, #tpu.memory_space<vmem>> -> memref<16xi32, #tpu.memory_space<vmem>>
        %dma_wait3A_391 = arith.constant 9984 : i32
        %dma_wait3A_392 = tpu.memref_slice %arg3[%dma_wait3A_391] : memref<10000xi32, #tpu.memory_space<hbm>> -> memref<16xi32, #tpu.memory_space<hbm>>
        tpu.wait_dma2 semaphore(%run_scoped3A : memref<!tpu.dma_semaphore, #tpu.memory_space<semaphore_mem>>) src(%dma_wait3A_392 : memref<16xi32, #tpu.memory_space<hbm>>) dst(%dma_wait3A_390 : memref<16xi32, #tpu.memory_space<vmem>>)
        tpu.yield
      }) : () -> ()
      %dma_start3A_333 = arith.constant 0 : i32
      %dma_start3A_334 = arith.constant 0 : i32
      %dma_start3A_335 = tpu.memref_slice %arg15[%dma_start3A_333, %dma_start3A_334] : memref<80x128xf32, #tpu.memory_space<vmem>> -> memref<16x128xf32, #tpu.memory_space<vmem>>
      %dma_start3A_336 = arith.constant 0 : i32
      %dma_start3A_337 = tpu.memref_slice %arg12[%dma_start3A_336] : memref<320xi32, #tpu.memory_space<vmem>> -> memref<16xi32, #tpu.memory_space<vmem>>
      %dma_start3A_338 = arith.constant 0 : i32
      %dma_start3A_339 = arith.constant 0 : i32
      %dma_start3A_340 = tpu.memref_slice %arg14[%dma_start3A_338, %dma_start3A_339] : memref<100x128xf32, #tpu.memory_space<vmem_shared>> -> memref<100x128xf32, #tpu.memory_space<vmem_shared>>
      tpu.enqueue_indirect_dma source(%dma_start3A_340 : memref<100x128xf32, #tpu.memory_space<vmem_shared>>) target(%dma_start3A_335 : memref<16x128xf32, #tpu.memory_space<vmem>>) offsets(%dma_start3A_337 : memref<16xi32, #tpu.memory_space<vmem>>) semaphore(%arg20 : memref<!tpu.dma_semaphore, #tpu.memory_space<semaphore_mem>>)
      %dma_start3A_341 = arith.constant 0 : i32
      %dma_start3A_342 = arith.constant 0 : i32
      %dma_start3A_343 = tpu.memref_slice %arg16[%dma_start3A_341, %dma_start3A_342] : memref<80x128xf32, #tpu.memory_space<vmem>> -> memref<16x128xf32, #tpu.memory_space<vmem>>
      %dma_start3A_344 = arith.constant 9984 : i32
      %dma_start3A_345 = arith.constant 0 : i32
      %dma_start3A_346 = tpu.memref_slice %arg6[%dma_start3A_344, %dma_start3A_345] : memref<10000x128xf32, #tpu.memory_space<hbm>> -> memref<16x128xf32, #tpu.memory_space<hbm>>
      %dma_start3A_347 = arith.constant 0 : i32
      %dma_start3A_348 = arith.constant 0 : i32
      %dma_start3A_349 = tpu.memref_slice %arg16[%dma_start3A_347, %dma_start3A_348] : memref<80x128xf32, #tpu.memory_space<vmem>> -> memref<16x128xf32, #tpu.memory_space<vmem>>
      %dma_start3A_350 = arith.constant 9984 : i32
      %dma_start3A_351 = arith.constant 0 : i32
      %dma_start3A_352 = tpu.memref_slice %arg6[%dma_start3A_350, %dma_start3A_351] : memref<10000x128xf32, #tpu.memory_space<hbm>> -> memref<16x128xf32, #tpu.memory_space<hbm>>
      tpu.enqueue_dma source(%dma_start3A_352 : memref<16x128xf32, #tpu.memory_space<hbm>>) target(%dma_start3A_349 : memref<16x128xf32, #tpu.memory_space<vmem>>) target_semaphore(%arg21 : memref<!tpu.dma_semaphore, #tpu.memory_space<semaphore_mem>>)
      %dma_wait3A_353 = arith.constant 0 : i32
      %dma_wait3A_354 = arith.constant 0 : i32
      %dma_wait3A_355 = tpu.memref_slice %arg15[%dma_wait3A_353, %dma_wait3A_354] : memref<80x128xf32, #tpu.memory_space<vmem>> -> memref<16x128xf32, #tpu.memory_space<vmem>>
      %dma_wait3A_356 = arith.constant 0 : i32
      %dma_wait3A_357 = arith.constant 0 : i32
      %dma_wait3A_358 = tpu.memref_slice %arg8[%dma_wait3A_356, %dma_wait3A_357] : memref<10000x128xf32, #tpu.memory_space<hbm>> -> memref<16x128xf32, #tpu.memory_space<hbm>>
      %dma_wait3A_359 = arith.constant 0 : i32
      %dma_wait3A_360 = arith.constant 0 : i32
      %dma_wait3A_361 = tpu.memref_slice %arg15[%dma_wait3A_359, %dma_wait3A_360] : memref<80x128xf32, #tpu.memory_space<vmem>> -> memref<16x128xf32, #tpu.memory_space<vmem>>
      %dma_wait3A_362 = arith.constant 0 : i32
      %dma_wait3A_363 = arith.constant 0 : i32
      %dma_wait3A_364 = tpu.memref_slice %arg8[%dma_wait3A_362, %dma_wait3A_363] : memref<10000x128xf32, #tpu.memory_space<hbm>> -> memref<16x128xf32, #tpu.memory_space<hbm>>
      tpu.wait_dma2 semaphore(%arg20 : memref<!tpu.dma_semaphore, #tpu.memory_space<semaphore_mem>>) src(%dma_wait3A_364 : memref<16x128xf32, #tpu.memory_space<hbm>>) dst(%dma_wait3A_361 : memref<16x128xf32, #tpu.memory_space<vmem>>)
      "tpu.region"() ({
        %run_scoped3A = tpu.sem_alloc : memref<!tpu.dma_semaphore, #tpu.memory_space<semaphore_mem>>
        %dma_start3A_377 = arith.constant 0 : i32
        %dma_start3A_378 = arith.constant 0 : i32
        %dma_start3A_379 = tpu.memref_slice %arg15[%dma_start3A_377, %dma_start3A_378] : memref<80x128xf32, #tpu.memory_space<vmem>> -> memref<16x128xf32, #tpu.memory_space<vmem>>
        %dma_start3A_380 = arith.constant 9984 : i32
        %dma_start3A_381 = arith.constant 0 : i32
        %dma_start3A_382 = tpu.memref_slice %arg8[%dma_start3A_380, %dma_start3A_381] : memref<10000x128xf32, #tpu.memory_space<hbm>> -> memref<16x128xf32, #tpu.memory_space<hbm>>
        %dma_start3A_383 = arith.constant 9984 : i32
        %dma_start3A_384 = arith.constant 0 : i32
        %dma_start3A_385 = tpu.memref_slice %arg8[%dma_start3A_383, %dma_start3A_384] : memref<10000x128xf32, #tpu.memory_space<hbm>> -> memref<16x128xf32, #tpu.memory_space<hbm>>
        %dma_start3A_386 = arith.constant 0 : i32
        %dma_start3A_387 = arith.constant 0 : i32
        %dma_start3A_388 = tpu.memref_slice %arg15[%dma_start3A_386, %dma_start3A_387] : memref<80x128xf32, #tpu.memory_space<vmem>> -> memref<16x128xf32, #tpu.memory_space<vmem>>
        tpu.enqueue_dma source(%dma_start3A_388 : memref<16x128xf32, #tpu.memory_space<vmem>>) target(%dma_start3A_385 : memref<16x128xf32, #tpu.memory_space<hbm>>) target_semaphore(%run_scoped3A : memref<!tpu.dma_semaphore, #tpu.memory_space<semaphore_mem>>)
        %dma_wait3A_389 = arith.constant 0 : i32
        %dma_wait3A_390 = arith.constant 0 : i32
        %dma_wait3A_391 = tpu.memref_slice %arg15[%dma_wait3A_389, %dma_wait3A_390] : memref<80x128xf32, #tpu.memory_space<vmem>> -> memref<16x128xf32, #tpu.memory_space<vmem>>
        %dma_wait3A_392 = arith.constant 9984 : i32
        %dma_wait3A_393 = arith.constant 0 : i32
        %dma_wait3A_394 = tpu.memref_slice %arg8[%dma_wait3A_392, %dma_wait3A_393] : memref<10000x128xf32, #tpu.memory_space<hbm>> -> memref<16x128xf32, #tpu.memory_space<hbm>>
        %dma_wait3A_395 = arith.constant 9984 : i32
        %dma_wait3A_396 = arith.constant 0 : i32
        %dma_wait3A_397 = tpu.memref_slice %arg8[%dma_wait3A_395, %dma_wait3A_396] : memref<10000x128xf32, #tpu.memory_space<hbm>> -> memref<16x128xf32, #tpu.memory_space<hbm>>
        %dma_wait3A_398 = arith.constant 0 : i32
        %dma_wait3A_399 = arith.constant 0 : i32
        %dma_wait3A_400 = tpu.memref_slice %arg15[%dma_wait3A_398, %dma_wait3A_399] : memref<80x128xf32, #tpu.memory_space<vmem>> -> memref<16x128xf32, #tpu.memory_space<vmem>>
        tpu.wait_dma2 semaphore(%run_scoped3A : memref<!tpu.dma_semaphore, #tpu.memory_space<semaphore_mem>>) src(%dma_wait3A_400 : memref<16x128xf32, #tpu.memory_space<vmem>>) dst(%dma_wait3A_397 : memref<16x128xf32, #tpu.memory_space<hbm>>)
        tpu.yield
      }) : () -> ()
      %dma_wait3A_365 = arith.constant 0 : i32
      %dma_wait3A_366 = arith.constant 0 : i32
      %dma_wait3A_367 = tpu.memref_slice %arg16[%dma_wait3A_365, %dma_wait3A_366] : memref<80x128xf32, #tpu.memory_space<vmem>> -> memref<16x128xf32, #tpu.memory_space<vmem>>
      %dma_wait3A_368 = arith.constant 0 : i32
      %dma_wait3A_369 = arith.constant 0 : i32
      %dma_wait3A_370 = tpu.memref_slice %arg8[%dma_wait3A_368, %dma_wait3A_369] : memref<10000x128xf32, #tpu.memory_space<hbm>> -> memref<16x128xf32, #tpu.memory_space<hbm>>
      %dma_wait3A_371 = arith.constant 0 : i32
      %dma_wait3A_372 = arith.constant 0 : i32
      %dma_wait3A_373 = tpu.memref_slice %arg16[%dma_wait3A_371, %dma_wait3A_372] : memref<80x128xf32, #tpu.memory_space<vmem>> -> memref<16x128xf32, #tpu.memory_space<vmem>>
      %dma_wait3A_374 = arith.constant 0 : i32
      %dma_wait3A_375 = arith.constant 0 : i32
      %dma_wait3A_376 = tpu.memref_slice %arg8[%dma_wait3A_374, %dma_wait3A_375] : memref<10000x128xf32, #tpu.memory_space<hbm>> -> memref<16x128xf32, #tpu.memory_space<hbm>>
      tpu.wait_dma2 semaphore(%arg21 : memref<!tpu.dma_semaphore, #tpu.memory_space<semaphore_mem>>) src(%dma_wait3A_376 : memref<16x128xf32, #tpu.memory_space<hbm>>) dst(%dma_wait3A_373 : memref<16x128xf32, #tpu.memory_space<vmem>>)
      "tpu.region"() ({
        %run_scoped3A = tpu.sem_alloc : memref<!tpu.dma_semaphore, #tpu.memory_space<semaphore_mem>>
        %dma_start3A_377 = arith.constant 0 : i32
        %dma_start3A_378 = arith.constant 0 : i32
        %dma_start3A_379 = tpu.memref_slice %arg16[%dma_start3A_377, %dma_start3A_378] : memref<80x128xf32, #tpu.memory_space<vmem>> -> memref<16x128xf32, #tpu.memory_space<vmem>>
        %dma_start3A_380 = arith.constant 9984 : i32
        %dma_start3A_381 = arith.constant 0 : i32
        %dma_start3A_382 = tpu.memref_slice %arg9[%dma_start3A_380, %dma_start3A_381] : memref<10000x128xf32, #tpu.memory_space<hbm>> -> memref<16x128xf32, #tpu.memory_space<hbm>>
        %dma_start3A_383 = arith.constant 9984 : i32
        %dma_start3A_384 = arith.constant 0 : i32
        %dma_start3A_385 = tpu.memref_slice %arg9[%dma_start3A_383, %dma_start3A_384] : memref<10000x128xf32, #tpu.memory_space<hbm>> -> memref<16x128xf32, #tpu.memory_space<hbm>>
        %dma_start3A_386 = arith.constant 0 : i32
        %dma_start3A_387 = arith.constant 0 : i32
        %dma_start3A_388 = tpu.memref_slice %arg16[%dma_start3A_386, %dma_start3A_387] : memref<80x128xf32, #tpu.memory_space<vmem>> -> memref<16x128xf32, #tpu.memory_space<vmem>>
        tpu.enqueue_dma source(%dma_start3A_388 : memref<16x128xf32, #tpu.memory_space<vmem>>) target(%dma_start3A_385 : memref<16x128xf32, #tpu.memory_space<hbm>>) target_semaphore(%run_scoped3A : memref<!tpu.dma_semaphore, #tpu.memory_space<semaphore_mem>>)
        %dma_wait3A_389 = arith.constant 0 : i32
        %dma_wait3A_390 = arith.constant 0 : i32
        %dma_wait3A_391 = tpu.memref_slice %arg16[%dma_wait3A_389, %dma_wait3A_390] : memref<80x128xf32, #tpu.memory_space<vmem>> -> memref<16x128xf32, #tpu.memory_space<vmem>>
        %dma_wait3A_392 = arith.constant 9984 : i32
        %dma_wait3A_393 = arith.constant 0 : i32
        %dma_wait3A_394 = tpu.memref_slice %arg9[%dma_wait3A_392, %dma_wait3A_393] : memref<10000x128xf32, #tpu.memory_space<hbm>> -> memref<16x128xf32, #tpu.memory_space<hbm>>
        %dma_wait3A_395 = arith.constant 9984 : i32
        %dma_wait3A_396 = arith.constant 0 : i32
        %dma_wait3A_397 = tpu.memref_slice %arg9[%dma_wait3A_395, %dma_wait3A_396] : memref<10000x128xf32, #tpu.memory_space<hbm>> -> memref<16x128xf32, #tpu.memory_space<hbm>>
        %dma_wait3A_398 = arith.constant 0 : i32
        %dma_wait3A_399 = arith.constant 0 : i32
        %dma_wait3A_400 = tpu.memref_slice %arg16[%dma_wait3A_398, %dma_wait3A_399] : memref<80x128xf32, #tpu.memory_space<vmem>> -> memref<16x128xf32, #tpu.memory_space<vmem>>
        tpu.wait_dma2 semaphore(%run_scoped3A : memref<!tpu.dma_semaphore, #tpu.memory_space<semaphore_mem>>) src(%dma_wait3A_400 : memref<16x128xf32, #tpu.memory_space<vmem>>) dst(%dma_wait3A_397 : memref<16x128xf32, #tpu.memory_space<hbm>>)
        tpu.yield
      }) : () -> ()
    } else {
    }
    return
  }
}

module attributes {stable_mosaic.version = 14 : i64} {
  func.func @_rbf_body(%arg0: i32, %arg1: memref<1x1x16000xf32, #tpu.memory_space<vmem>>, %arg2: memref<64x1xf32, #tpu.memory_space<vmem>>, %arg3: memref<64x128xf32, #tpu.memory_space<vmem>>, %arg4: memref<1x128xf32, #tpu.memory_space<vmem>>, %arg5: memref<16000x128xf32, #tpu.memory_space<vmem>>) attributes {dimension_semantics = [#tpu.dimension_semantics<arbitrary>], iteration_bounds = array<i64: 20>, scalar_prefetch = 0 : i64, scratch_operands = 0 : i64, tpu.core_type = #tpu.core_type<tc>, window_params = [{transform_indices = @transform_0, window_bounds = array<i64: 1, 1, 16000>}, {pipeline_mode = #tpu.pipeline_mode<synchronous>, transform_indices = @transform_1, window_bounds = array<i64: 64, 1>}, {pipeline_mode = #tpu.pipeline_mode<synchronous>, transform_indices = @transform_2, window_bounds = array<i64: 64, 128>}, {pipeline_mode = #tpu.pipeline_mode<synchronous>, transform_indices = @transform_3, window_bounds = array<i64: 1, 128>}, {transform_indices = @transform_4, window_bounds = array<i64: 16000, 128>}]} {
    %get3A = arith.constant 0 : index
    %get3A_0 = arith.constant 0 : index
    %get3A_1 = arith.constant 0 : index
    %get3A_2 = vector.load %arg1[%get3A, %get3A_0, %get3A_1] : memref<1x1x16000xf32, #tpu.memory_space<vmem>>, vector<1x1x16000xf32>
    %reshape3A = vector.shape_cast %get3A_2 : vector<1x1x16000xf32> to vector<1x16000xf32>
    %neg3A = arith.constant 0.000000e+00 : f32
    %neg3A_3 = vector.broadcast %neg3A : f32 to vector<1x16000xf32>
    %neg3A_4 = arith.subf %neg3A_3, %reshape3A : vector<1x16000xf32>
    %exp3A = math.exp %neg3A_4 : vector<1x16000xf32>
    %get3A_5 = arith.constant 0 : index
    %get3A_6 = arith.constant 0 : index
    %get3A_7 = vector.load %arg2[%get3A_5, %get3A_6] : memref<64x1xf32, #tpu.memory_space<vmem>>, vector<64x1xf32>
    %sub3A = vector.broadcast %exp3A : vector<1x16000xf32> to vector<64x16000xf32>
    %sub3A_8 = vector.broadcast %get3A_7 : vector<64x1xf32> to vector<64x16000xf32>
    %sub3A_9 = arith.subf %sub3A, %sub3A_8 : vector<64x16000xf32>
    %mul3A = arith.constant -1037.94006 : f32
    %mul3A_10 = vector.broadcast %mul3A : f32 to vector<64x16000xf32>
    %mul3A_11 = arith.mulf %mul3A_10, %sub3A_9 : vector<64x16000xf32>
    %mul3A_12 = arith.mulf %mul3A_11, %sub3A_9 : vector<64x16000xf32>
    %exp3A_13 = math.exp %mul3A_12 : vector<64x16000xf32>
    %get3A_14 = arith.constant 0 : index
    %get3A_15 = arith.constant 0 : index
    %get3A_16 = vector.load %arg3[%get3A_14, %get3A_15] : memref<64x128xf32, #tpu.memory_space<vmem>>, vector<64x128xf32>
    %dot_general3A = arith.constant dense<0.000000e+00> : vector<16000x128xf32>
    %dot_general3A_17 = tpu.matmul %exp3A_13, %get3A_16, %dot_general3A {dimension_numbers = #tpu.dot_dimension_numbers<[0], [0], [1], [1], [0, 1, 1, 1], [], []>, transpose_lhs_hint = false} : vector<64x16000xf32>, vector<64x128xf32>, vector<16000x128xf32> -> vector<16000x128xf32>
    %get3A_18 = arith.constant 0 : index
    %get3A_19 = arith.constant 0 : index
    %get3A_20 = vector.load %arg4[%get3A_18, %get3A_19] : memref<1x128xf32, #tpu.memory_space<vmem>>, vector<1x128xf32>
    %add3A = vector.broadcast %get3A_20 : vector<1x128xf32> to vector<16000x128xf32>
    %add3A_21 = arith.addf %dot_general3A_17, %add3A : vector<16000x128xf32>
    %max3A = arith.constant 0.000000e+00 : f32
    %max3A_22 = vector.broadcast %max3A : f32 to vector<16000x128xf32>
    %max3A_23 = arith.maximumf %add3A_21, %max3A_22 : vector<16000x128xf32>
    %swap3A = arith.constant 0 : index
    %swap3A_24 = arith.constant 0 : index
    %swap3A_25 = vector.load %arg5[%swap3A, %swap3A_24] : memref<16000x128xf32, #tpu.memory_space<vmem>>, vector<16000x128xf32>
    tpu.vector_store %arg5[%swap3A, %swap3A_24], %max3A_23 {strides = array<i32>} : memref<16000x128xf32, #tpu.memory_space<vmem>>, vector<16000x128xf32>,
    return
  }
  func.func @transform_0(%arg0: i32) -> (i32, i32, i32) {
    %c0_i32 = arith.constant 0 : i32
    %c0_i32_0 = arith.constant 0 : i32
    %c0_i32_1 = arith.constant 0 : i32
    return %arg0, %c0_i32, %c0_i32_0 : i32, i32, i32
  }
  func.func @transform_1(%arg0: i32) -> (i32, i32) {
    %c0_i32 = arith.constant 0 : i32
    %c0_i32_0 = arith.constant 0 : i32
    %c0_i32_1 = arith.constant 0 : i32
    return %c0_i32, %c0_i32_0 : i32, i32
  }
  func.func @transform_2(%arg0: i32) -> (i32, i32) {
    %c0_i32 = arith.constant 0 : i32
    %c0_i32_0 = arith.constant 0 : i32
    %c0_i32_1 = arith.constant 0 : i32
    return %c0_i32, %c0_i32_0 : i32, i32
  }
  func.func @transform_3(%arg0: i32) -> (i32, i32) {
    %c0_i32 = arith.constant 0 : i32
    %c0_i32_0 = arith.constant 0 : i32
    %c0_i32_1 = arith.constant 0 : i32
    return %c0_i32, %c0_i32_0 : i32, i32
  }
  func.func @transform_4(%arg0: i32) -> (i32, i32) {
    %c0_i32 = arith.constant 0 : i32
    %c0_i32_0 = arith.constant 0 : i32
    return %arg0, %c0_i32 : i32, i32
  }
}

module attributes {stable_mosaic.version = 14 : i64} {
  func.func @_tables_body(%arg0: memref<100x128xf32, #tpu.memory_space<vmem>>, %arg1: memref<128x128xf32, #tpu.memory_space<vmem>>, %arg2: memref<1x128xf32, #tpu.memory_space<vmem>>, %arg3: memref<4x128xf32, #tpu.memory_space<vmem>>, %arg4: memref<128x128xf32, #tpu.memory_space<vmem>>, %arg5: memref<1x128xf32, #tpu.memory_space<vmem>>, %arg6: memref<100x128xf32, #tpu.memory_space<vmem>>, %arg7: memref<4x128xf32, #tpu.memory_space<vmem>>) attributes {dimension_semantics = [], scalar_prefetch = 0 : i64, scratch_operands = 0 : i64, tpu.core_type = #tpu.core_type<tc>} {
    %get3A = arith.constant 0 : index
    %get3A_0 = arith.constant 0 : index
    %get3A_1 = vector.load %arg0[%get3A, %get3A_0] : memref<100x128xf32, #tpu.memory_space<vmem>>, vector<100x128xf32>
    %get3A_2 = arith.constant 0 : index
    %get3A_3 = arith.constant 0 : index
    %get3A_4 = vector.load %arg1[%get3A_2, %get3A_3] : memref<128x128xf32, #tpu.memory_space<vmem>>, vector<128x128xf32>
    %dot_general3A = arith.constant dense<0.000000e+00> : vector<100x128xf32>
    %dot_general3A_5 = tpu.matmul %get3A_1, %get3A_4, %dot_general3A {dimension_numbers = #tpu.dot_dimension_numbers<[1], [0], [0], [1], [0, 0, 1, 1], [], []>, transpose_lhs_hint = false} : vector<100x128xf32>, vector<128x128xf32>, vector<100x128xf32> -> vector<100x128xf32>
    %get3A_6 = arith.constant 0 : index
    %get3A_7 = arith.constant 0 : index
    %get3A_8 = vector.load %arg2[%get3A_6, %get3A_7] : memref<1x128xf32, #tpu.memory_space<vmem>>, vector<1x128xf32>
    %add3A = vector.broadcast %get3A_8 : vector<1x128xf32> to vector<100x128xf32>
    %add3A_9 = arith.addf %dot_general3A_5, %add3A : vector<100x128xf32>
    %max3A = arith.constant 0.000000e+00 : f32
    %max3A_10 = vector.broadcast %max3A : f32 to vector<100x128xf32>
    %max3A_11 = arith.maximumf %add3A_9, %max3A_10 : vector<100x128xf32>
    %swap3A = arith.constant 0 : index
    %swap3A_12 = arith.constant 0 : index
    %swap3A_13 = vector.load %arg6[%swap3A, %swap3A_12] : memref<100x128xf32, #tpu.memory_space<vmem>>, vector<100x128xf32>
    tpu.vector_store %arg6[%swap3A, %swap3A_12], %max3A_11 {strides = array<i32>} : memref<100x128xf32, #tpu.memory_space<vmem>>, vector<100x128xf32>,
    %get3A_14 = arith.constant 0 : index
    %get3A_15 = arith.constant 0 : index
    %get3A_16 = vector.load %arg3[%get3A_14, %get3A_15] : memref<4x128xf32, #tpu.memory_space<vmem>>, vector<4x128xf32>
    %get3A_17 = arith.constant 0 : index
    %get3A_18 = arith.constant 0 : index
    %get3A_19 = vector.load %arg4[%get3A_17, %get3A_18] : memref<128x128xf32, #tpu.memory_space<vmem>>, vector<128x128xf32>
    %dot_general3A_20 = arith.constant dense<0.000000e+00> : vector<4x128xf32>
    %dot_general3A_21 = tpu.matmul %get3A_16, %get3A_19, %dot_general3A_20 {dimension_numbers = #tpu.dot_dimension_numbers<[1], [0], [0], [1], [0, 0, 1, 1], [], []>, transpose_lhs_hint = false} : vector<4x128xf32>, vector<128x128xf32>, vector<4x128xf32> -> vector<4x128xf32>
    %get3A_22 = arith.constant 0 : index
    %get3A_23 = arith.constant 0 : index
    %get3A_24 = vector.load %arg5[%get3A_22, %get3A_23] : memref<1x128xf32, #tpu.memory_space<vmem>>, vector<1x128xf32>
    %add3A_25 = vector.broadcast %get3A_24 : vector<1x128xf32> to vector<4x128xf32>
    %add3A_26 = arith.addf %dot_general3A_21, %add3A_25 : vector<4x128xf32>
    %max3A_27 = arith.constant 0.000000e+00 : f32
    %max3A_28 = vector.broadcast %max3A_27 : f32 to vector<4x128xf32>
    %max3A_29 = arith.maximumf %add3A_26, %max3A_28 : vector<4x128xf32>
    %swap3A_30 = arith.constant 0 : index
    %swap3A_31 = arith.constant 0 : index
    %swap3A_32 = vector.load %arg7[%swap3A_30, %swap3A_31] : memref<4x128xf32, #tpu.memory_space<vmem>>, vector<4x128xf32>
    tpu.vector_store %arg7[%swap3A_30, %swap3A_31], %max3A_29 {strides = array<i32>} : memref<4x128xf32, #tpu.memory_space<vmem>>, vector<4x128xf32>,
    return
  }
}

</mosaic_0001>

<sc_bundles>
// kernel: kernel.5.cloned.1.call-start
scs
__scs_entry_jumppad:
0x0: {  	(pc) =	sbr.rel $0x88, $3  }
0x1: {  	(tag) =	ssettag $0x0;
	lr =	simm.s32 $0x1  }
0x2: {  	[smem:$0x3F95] =	sst lr;
	_ =	strace $0xD0000000  }
0x3: {  	_ = 	snop  }
0x4: {  	_ = 	snop  }
0x5: {  	_ = 	snop  }
0x6: {  	_ = 	snop  }
0x7: {  	_ = 	snop  }
__scs_overlays_trampoline_lowered:
0x8: {  	[smem:$0x3FA4] =	sst s0  }
0x9: {  	[smem:$0x3FA5] =	sst s1  }
0xa: {  	[smem:$0x3FA6] =	sst s2  }
0xb: {  	[smem:$0x3FA7] =	sst s3  }
0xc: {  	[smem:$0x3FA8] =	sst s4  }
0xd: {  	[smem:$0x3FA9] =	sst s5  }
0xe: {  	[smem:$0x3FAA] =	sst s6  }
0xf: {  	[smem:$0x3FAB] =	sst s7  }
0x10: {  	[smem:$0x3FAC] =	sst s8  }
0x11: {  	[smem:$0x3FAD] =	sst s9;
	s0 =	simm.s32 @!p0 $0x0  }
0x12: {  	s1 =	sld [smem:$0x3F93];
	s0 =	simm.s32 @p0 $0x1  }
0x13: {  	[smem:$0x3FAE] =	sst s0;
	s0 =	simm.s32 @!p1 $0x0  }
0x14: {  	s2 =	sld [smem:$0x3F92];
	s0 =	simm.s32 @p1 $0x1  }
0x15: {  	[smem:$0x3FAF] =	sst s0;
	s0 =	simm.s32 @!p2 $0x0  }
0x16: {  	s3 =	sld [smem:$0x3FDB];
	s0 =	simm.s32 @p2 $0x1  }
0x17: {  	s4 =	simm.s32 $0x1BF5;
	[smem:$0x3FB1] =	sst s0  }
0x18: {  	s0 =	sld [smem:$0x3F94];
	_ =	swait.ge [sflag:s4], $0x0  }
0x19: {  	s7 =	sld [smem:$0x3F95]  }
0x1a: {  	s8 =	sadd.s32 $0xFFFFE003, lr  }
0x1b: {  	s9 =	sadd.s32 $0xFFFFFEF7, lr;
	s5 =	simm.s32 $0xFFFFFFFF;
	p2 =	slt.u32 s8, $0xFFFFF086  }
0x1c: {  	p1 =	slt.u32 s9, $0xF7A;
	s5 =	simm.s32 @!p2 $0x0  }
0x1d: {  	s5 =	simm.s32 @p1 $0x1;
	p0 =	seq.s32 s7, s2  }
0x1e: {  	s7 =	smul.u32 @!p0 $0xF7A, s2;
	p2 =	seq.s32 @!p0 s5, $0x0  }
0x1f: {  	s9 =	smul.u32 $0xF7A, s1;
	s8 =	simm.s32 @!p0 $0x1BF5;
	p2 =	por !p2, p0  }
0x20: {  	[sflag:s8] =	ssyncset.s32 @!p0 $0xFFFFF086;
	s6 =	sadd.s32 @!p0 s3, s7;
	s7 =	simm.s32 @!p0 $0x108  }
0x21: {  	s3 =	sadd.s32 s3, s9;
	s6 =	sadd.s32 @!p0 $0x88, s6;
	s7 =	simm.s32 @p2 $0x1082  }
0x22: {  	[simem:s7], [sflag:s8] =	dma.local @!p0 [hbm:s6], $0xF7A  }
0x23: {  	s9 =	sor.u32 $0xD0000000, s2;
	s6 =	simm.s32 $0x108;
	_ =	swait.ge @!p0 [sflag:s8], $0x0  }
0x24: {  	s3 =	sadd.s32 $0x88, s3;
	s6 =	simm.s32 @!p1 $0x1082;
	[sflag:s4] =	ssyncset.s32 $0xFFFFF086  }
0x25: {  	[simem:s6], [sflag:s4] =	dma.local [hbm:s3], $0xF7A  }
0x26: {  	[smem:$0x3F95] =	sst s1;
	(tag) =	ssettag s2;
	_ =	strace s9  }
0x27: {  	s1 =	sld [smem:$0x3FA5]  }
0x28: {  	s2 =	sld [smem:$0x3FA6]  }
0x29: {  	s4 =	sld [smem:$0x3FA8]  }
0x2a: {  	p0 =	seq.s32 s5, $0x0;
	s5 =	sld [smem:$0x3FA9]  }
0x2b: {  	s6 =	sld [smem:$0x3FAA]  }
0x2c: {  	s7 =	sld [smem:$0x3FAB]  }
0x2d: {  	s3 =	simm.s32 $0x108;
	s8 =	sld [smem:$0x3FAC]  }
0x2e: {  	s3 =	simm.s32 @!p0 $0x1082;
	s9 =	sld [smem:$0x3FAD]  }
0x2f: {  	lr =	sadd.s32 s0, s3;
	s0 =	sld [smem:$0x3FA4]  }
0x30: {  	s3 =	sld [smem:$0x3FA7]  }
0x31: {  	[smem:$0x3FB0] =	sst s10  }
0x32: {  	s10 =	sld [smem:$0x3FAE];
	_ =	sdelay $0x3  }
0x33: {  	p0 =	seq.s32 s10, $0x1;
	s10 =	sld [smem:$0x3FB0];
	_ =	sdelay $0x3  }
0x34: {  	[smem:$0x3FB0] =	sst s10  }
0x35: {  	s10 =	sld [smem:$0x3FAF];
	_ =	sdelay $0x3  }
0x36: {  	p1 =	seq.s32 s10, $0x1;
	s10 =	sld [smem:$0x3FB0];
	_ =	sdelay $0x3  }
0x37: {  	[smem:$0x3FB0] =	sst s10  }
0x38: {  	s10 =	sld [smem:$0x3FB1]  }
0x39: {  	_ = 	snop;
	(pc) =	sbr.ind lr, $3  }
0x3a: {  	_ = 	snop  }
0x3b: {  	_ = 	snop  }
0x3c: {  	p2 =	seq.s32 s10, $0x1;
	s10 =	sld [smem:$0x3FB0]  }
0x3d: {  	_ =	shalt  }
0x3e: {  	_ =	shalt  }
0x3f: {  	_ =	shalt  }
0x40: {  	_ =	shalt  }
0x41: {  	_ =	shalt  }
0x42: {  	_ =	shalt  }
0x43: {  	_ =	shalt  }
0x44: {  	_ =	shalt  }
0x45: {  	_ =	shalt  }
0x46: {  	_ =	shalt  }
0x47: {  	_ =	shalt  }
0x48: {  	_ =	shalt  }
0x49: {  	_ =	shalt  }
0x4a: {  	_ =	shalt  }
0x4b: {  	_ =	shalt  }
0x4c: {  	_ =	shalt  }
0x4d: {  	_ =	shalt  }
0x4e: {  	_ =	shalt  }
0x4f: {  	_ =	shalt  }
0x50: {  	_ =	shalt  }
0x51: {  	_ =	shalt  }
0x52: {  	_ =	shalt  }
0x53: {  	_ =	shalt  }
0x54: {  	_ =	shalt  }
0x55: {  	_ =	shalt  }
0x56: {  	_ =	shalt  }
0x57: {  	_ =	shalt  }
0x58: {  	_ =	shalt  }
0x59: {  	_ =	shalt  }
0x5a: {  	_ =	shalt  }
0x5b: {  	_ =	shalt  }
0x5c: {  	_ =	shalt  }
0x5d: {  	_ =	shalt  }
0x5e: {  	_ =	shalt  }
0x5f: {  	_ =	shalt  }
0x60: {  	_ =	shalt  }
0x61: {  	_ =	shalt  }
0x62: {  	_ =	shalt  }
0x63: {  	_ =	shalt  }
0x64: {  	_ =	shalt  }
0x65: {  	_ =	shalt  }
0x66: {  	_ =	shalt  }
0x67: {  	_ =	shalt  }
0x68: {  	_ =	shalt  }
0x69: {  	_ =	shalt  }
0x6a: {  	_ =	shalt  }
0x6b: {  	_ =	shalt  }
0x6c: {  	_ =	shalt  }
0x6d: {  	_ =	shalt  }
0x6e: {  	_ =	shalt  }
0x6f: {  	_ =	shalt  }
0x70: {  	_ =	shalt  }
0x71: {  	_ =	shalt  }
0x72: {  	_ =	shalt  }
0x73: {  	_ =	shalt  }
0x74: {  	_ =	shalt  }
0x75: {  	_ =	shalt  }
0x76: {  	_ =	shalt  }
0x77: {  	_ =	shalt  }
0x78: {  	_ =	shalt  }
0x79: {  	_ =	shalt  }
0x7a: {  	_ =	shalt  }
0x7b: {  	_ =	shalt  }
0x7c: {  	_ =	shalt  }
0x7d: {  	_ =	shalt  }
0x7e: {  	_ =	shalt  }
0x7f: {  	_ =	shalt  }
0x80: {  	_ =	shalt  }
0x81: {  	_ =	shalt  }
0x82: {  	_ =	shalt  }
0x83: {  	_ =	shalt  }
0x84: {  	_ =	shalt  }
0x85: {  	_ =	shalt  }
0x86: {  	_ =	shalt  }
0x87: {  	_ =	shalt  }
.Lfunc_end0:
.L_simem_size_0:
called_computation_lowered:
.L_overlay_start_0:
0x88: {  	s2 =	sld [smem:$0x3FD9]  }
0x89: {  	s3 =	sld [smem:$0x3FFE];
	_ =	sdelay $0x1  }
0x8a: {  	s1 =	srdreg.scid  }
0x8b: {  	s0 =	sand.u32 $0x1, s1  }
0x8c: {  	s14 =	sshll.u32 s0, $0xA;
	s2 =	sadd.s32 s3, s2  }
0x8d: {  	s2 =	sadd.s32 s2, s14  }
0x8e: {  	[smem:$0x3FBC] =	sst s2  }
0x8f: {  	_ = 	snop  }
0x90: {  	s2 =	sld [smem:$0x3FD0];
	_ =	sdelay $0x1  }
0x91: {  	s15 =	sld [smem:$0x3FC9]  }
0x92: {  	s5 =	simm.s32 $0xA;
	s6 =	simm.s32 $0x10;
	s4 =	sld [smem:$0x3FC8]  }
0x93: {  	[smem:s6], [sflag:s5] =	dma.local [hbm:s2], $0x1  }
0x94: {  	_ =	swait.eq [sflag:s5], $0x1  }
0x95: {  	s16 =	sld [smem:$0x10];
	[sflag:s5] =	ssyncset.done $0x0  }
0x96: {  	s17 =	sld [smem:$0x11];
	[sflag:s5] =	ssyncadd.s32 $0xFFFFFFFF  }
0x97: {  	s18 =	sld [smem:$0x13];
	(tm) =	ssettm $0x1  }
0x98: {  	s7 =	sld [smem:$0x3FFB];
	_ =	sdelay $0x3  }
0x99: {  	_ =	strace s7  }
0x9a: {  	s7 =	sld [smem:$0x3FFC];
	_ =	sdelay $0x3  }
0x9b: {  	_ =	strace s7  }
0x9c: {  	s7 =	sld [smem:$0x3FFD];
	_ =	sdelay $0x3  }
0x9d: {  	_ =	strace s7  }
0x9e: {  	_ =	strace $0x8FFFFFFF  }
0x9f: {  	s19 =	sld [smem:$0x3FDB];
	_ =	sdelay $0x1  }
0xa0: {  	s8 =	simm.s32 $_scs_section_size  }
0xa1: {  	s9 =	simm.s32 $_size__tile_overlayer_lowered;
	s10 =	simm.s32 $_tile_overlayer_lowered  }
0xa2: {  	s22 =	simm.s32 $0x1BFF;
	s21 =	sshll.u32 s10, $0x1;
	s7 =	sadd.s32 s8, s19  }
0xa3: {  	s11 =	simm.s32 $0x0;
	s20 =	sshll.u32 s9, $0x1;
	s9 =	sadd.s32 s21, s7  }
0xa4: {  	[timem:s11], [sflag:s22] =	dma.local [hbm:s9], s20  }
0xa5: {  	_ =	swait.ge [sflag:s22], s20  }
0xa6: {  	s8 =	ssub.s32 $0x0, s20;
	[sflag:s22] =	ssyncset.done $0x0  }
0xa7: {  	[sflag:s22] =	ssyncadd.s32 s8;
	_ =	sdelay $0x1  }
0xa8: {  	s23 =	simm.s32 $0x1B8B  }
0xa9: {  	_ =	swait.ge [sflag:s23], $0x1  }
0xaa: {  	[sflag:s23] =	ssyncset.done $0x0  }
0xab: {  	s25 =	simm.s32 $0x1B8E;
	s24 =	sld [smem:$0x3FFE];
	[sflag:s23] =	ssyncadd.s32 $0xFFFFFFFF  }
0xac: {  	s26 =	simm.s32 $execute0_lowered;
	[smem:$0x3FD2] =	sst s25  }
0xad: {  	s9 =	sshll.u32 s26, $0x1;
	_ =	strace $0x80000046;
	[dreg:$0x1] =	wrdreg $0xFFFFFFFF  }
0xae: {  	s28 =	simm.s32 $_size_execute0_lowered;
	s7 =	sadd.s32 s7, s9;
	[dreg:$0x0] =	wrdreg $0x0  }
0xaf: {  	s9 =	sshll.u32 s28, $0x1;
	[dreg:$0x2] =	wrdreg s7  }
0xb0: {  	[dreg:$0x3] =	wrdreg s9  }
0xb1: {  	[dreg:$0x4] =	wrdreg $0xC0  }
0xb2: {  	_ =	task [dreg:s11], $0x5FFFF  }
0xb3: {  	[dreg:$0x1] =	wrdreg $0xFFFFFFFF  }
0xb4: {  	[dreg:$0x0] =	wrdreg $0x60  }
0xb5: {  	[dreg:$0x2] =	wrdreg s24  }
0xb6: {  	[dreg:$0x3] =	wrdreg s4  }
0xb7: {  	[dreg:$0x4] =	wrdreg s15  }
0xb8: {  	[dreg:$0x5] =	wrdreg s18  }
0xb9: {  	[dreg:$0x6] =	wrdreg s16  }
0xba: {  	[dreg:$0x7] =	wrdreg s17  }
0xbb: {  	[dreg:$0x8] =	wrdreg $0x50800  }
0xbc: {  	[dreg:$0x9] =	wrdreg $0x50A00  }
0xbd: {  	[dreg:$0xa] =	wrdreg $0x9  }
0xbe: {  	_ =	task.clear_ibuf [dreg:s11], $0xBFFFF;
	_ =	strace $0x90000046  }
0xbf: {  	s29 =	simm.s32 $0x9;
	_ =	strace $0x80000048  }
0xc0: {  	_ =	swait.ge [sflag:s29], $0x1  }
0xc1: {  	[sflag:s29] =	ssyncadd.s32 $0xFFFFFFFF  }
0xc2: {  	_ =	strace $0x90000048  }
0xc3: {  	_ =	sfence  }
0xc4: {  	s30 =	sld [smem:$0x0];
	_ =	sdelay $0x2  }
0xc5: {  	s31 =	sshll.u32 s1, $0xD;
	s1 =	sshrl.u32 s1, $0x2  }
0xc6: {  	s3 =	sand.u32 $0x4000, s31;
	s1 =	sadd.s32 s1, s30  }
0xc7: {  	s0 =	sor.u32 s3, s0;
	s1 =	sshll.u32 s1, $0x11  }
0xc8: {  	s0 =	sor.u32 s1, s0  }
0xc9: {  	s0 =	sadd.s32 $0x8F2B, s0  }
0xca: {  	[sflag:s0] =	ssyncadd.remote.s32 $0x1  }
0xcb: {  	_ =	sfence.sel $0xFFFF  }
0xcc: {  	[dreg:$0x0] =	wrdreg $0xFFFFFFFF;
	(pc) =	sbr.abs _section_cstart, $3  }
0xcd: {  	[dreg:$0x1] =	wrdreg $0xFFFFFFFF  }
0xce: {  	_ =	task.clear_ibuf [dreg:s11], $0x2FFFF;
	_ =	strace $0x9FFFFFFF  }
0xcf: {  	(tm) =	ssettm $0x7FFFFFFF  }
tec
execute0_lowered:
.L_overlay_start_1:
0x0: {  	(tag) =	ssettag $0x1  }
0x1: {  	s0 =	rddreg [dreg:$0x0]  }
0x2: {  	s1 =	rddreg [dreg:$0x1]  }
0x3: {  	s5 =	rddreg [dreg:$0x2]  }
0x4: {  	s6 =	rddreg [dreg:$0x3]  }
0x5: {  	s7 =	rddreg [dreg:$0x4]  }
0x6: {  	s8 =	rddreg [dreg:$0x5];
	s3 =	srdreg.scid  }
0x7: {  	s16 =	stileid.u32;
	s2 =	rddreg [dreg:$0x6];
	s9 =	sand.u32 $0x1, s3  }
0x8: {  	s4 =	sshll.u32 s16, $0x1;
	s3 =	rddreg [dreg:$0x7];
	s22 =	smul.u32 $0x4E200, s16  }
0x9: {  	s10 =	sor.u32 s9, s4;
	s12 =	ssub.s32 $0x2, s9;
	s9 =	smul.u32 $0x27100, s9  }
0xa: {  	s14 =	sadd.s32 $0xC400, s0;
	s28 =	sadd.s32 $0x27000, s5;
	s11 =	smul.u32 $0x2710, s10  }
0xb: {  	p1 =	seq.s32 s16, $0x1;
	s29 =	sadd.s32 $0x27000, s7;
	s13 =	smul.u32 $0x27100, s10  }
0xc: {  	s30 =	sadd.s32 $0x27000, s8;
	s4 =	simm.s32 $0x0;
	s15 =	smul.u32 $0x138800, s10  }
0xd: {  	p2 =	sne.s32 @!p1 s16, $0x0;
	s16 =	simm.s32 $0x7;
	s18 =	smul.u32 $0x1380, s10  }
0xe: {  	[smem:$0x7FF] =	sst s4;
	s26 =	sshrl.u32 s12, $0x1;
	s19 =	smul.u32 $0x9C00, s10  }
0xf: {  	p0 =	sne.s32 s10, $0x1F;
	p2 =	por p2, p1;
	_ =	strace $0x80000047  }
0x10: {  	[dreg:$0xa] =	wrdreg s14;
	s14 =	smul.u32 $0x27, s10;
	s10 =	simm.s32 $0x1  }
0x11: {  	s11 =	sshrl.u32 s11, $0x3;
	s17 =	sshrl.u32 s15, $0x3;
	s13 =	sadd.s32 s6, s13  }
0x12: {  	s24 =	sshrl.u32 s19, $0x3;
	s25 =	sadd.s32 s5, s18;
	[dreg:$0xd] =	wrdreg s13  }
0x13: {  	s15 =	sadd.s32 s7, s18;
	s11 =	sadd.s32 s11, s0;
	[dreg:$0x13] =	wrdreg s25  }
0x14: {  	s0 =	sadd.s32 $0xBC00, s0;
	s23 =	sadd.s32 s1, s14;
	[dreg:$0x15] =	wrdreg s15  }
0x15: {  	s1 =	sadd.s32 $0x4E0, s1;
	s14 =	simm.s32 $0x5;
	[dreg:$0xb] =	wrdreg s0  }
0x16: {  	s15 =	simm.s32 $0x6;
	s0 =	ssub.s32 s12, s26;
	[dreg:$0x12] =	wrdreg s23  }
0x17: {  	s11 =	sadd.s32 $0x1E00, s11;
	s26 =	sadd.s32 $0x500, s24;
	[dreg:$0x1f] =	wrdreg s1  }
0x18: {  	s1 =	simm.s32 $0xB;
	[dreg:$0xc] =	wrdreg s11;
	s13 =	sadd.s32 s5, s26  }
0x19: {  	s11 =	sadd.s32 s6, s17;
	s19 =	sadd.s32 s8, s26;
	[dreg:$0x14] =	wrdreg s13  }
0x1a: {  	s12 =	simm.s32 $0x3;
	s20 =	sadd.s32 $0x500, s11;
	[dreg:$0x18] =	wrdreg s19  }
0x1b: {  	s6 =	sadd.s32 s22, s6;
	s21 =	sadd.s32 $0xA00, s11;
	[dreg:$0xe] =	wrdreg s20  }
0x1c: {  	s31 =	smax.u32 s0, $0x1;
	s17 =	sadd.s32 $0xF00, s11;
	[dreg:$0xf] =	wrdreg s21  }
0x1d: {  	s0 =	simm.s32 $0x50;
	s11 =	sadd.s32 $0x1400, s11;
	[dreg:$0x10] =	wrdreg s17  }
0x1e: {  	s6 =	sadd.s32 s9, s6;
	s9 =	simm.s32 $0xF3C0;
	[dreg:$0x11] =	wrdreg s11  }
0x1f: {  	s13 =	simm.s32 $0x4;
	s19 =	simm.s32 $0xA;
	[dreg:$0x9] =	wrdreg s6  }
0x20: {  	s17 =	sadd.s32 s8, s18;
	s18 =	sadd.s32 s7, s26;
	s20 =	sadd.s32 $0xA00, s24  }
0x21: {  	s21 =	sadd.s32 $0xF00, s24;
	s11 =	simm.s32 $0x2;
	[dreg:$0x16] =	wrdreg s17  }
0x22: {  	[dreg:$0x17] =	wrdreg s18;
	s22 =	sadd.s32 s5, s20;
	s23 =	sadd.s32 s7, s20  }
0x23: {  	s6 =	sadd.s32 s8, s20;
	s24 =	sadd.s32 s5, s21;
	[dreg:$0x19] =	wrdreg s22  }
0x24: {  	s25 =	sadd.s32 s7, s21;
	s26 =	sadd.s32 s8, s21;
	[dreg:$0x1a] =	wrdreg s23  }
0x25: {  	s5 =	simm.s32 $0x53C0;
	s7 =	simm.s32 $0xA3C0;
	[dreg:$0x1b] =	wrdreg s6  }
0x26: {  	s8 =	simm.s32 $0xCBC0;
	s17 =	simm.s32 $0x8;
	[dreg:$0x1c] =	wrdreg s24  }
0x27: {  	s18 =	simm.s32 $0x9;
	s20 =	simm.s32 $0x4F00;
	[dreg:$0x1d] =	wrdreg s25  }
0x28: {  	s21 =	simm.s32 $0x0;
	[dreg:$0x1e] =	wrdreg s26;
	s6 =	simm.s32 $0x7BC0  }
.LBB2_1:
0x29: {  	s22 =	sshrl.u32 @p1 s3, $0x3;
	s23 =	simm.s32 @p1 $0x1C4B;
	s24 =	rddreg [dreg:$0xb]  }
0x2a: {  	[spmem:s22], [sflag:s23] =	dma.local @p1 [hbm:s24], $0x640  }
0x2b: {  	s22 =	simm.s32 @p1 $0xB  }
0x2c: {  	_ =	swait.ge @p1 [sflag:s22], $0x640  }
0x2d: {  	s23 =	simm.s32 @!p2 $0x1C0B;
	[sflag:s22] =	ssyncset.done @p1 $0x0  }
0x2e: {  	s24 =	rddreg [dreg:$0xa];
	[sflag:s22] =	ssyncadd.s32 @p1 $0xFFFFF9C0;
	s22 =	sshrl.u32 @!p2 s2, $0x3  }
0x2f: {  	[spmem:s22], [sflag:s23] =	dma.local @!p2 [hbm:s24], $0x40  }
0x30: {  	s22 =	simm.s32 @!p2 $0xB  }
0x31: {  	_ =	swait.ge @!p2 [sflag:s22], $0x40  }
0x32: {  	[sflag:s22] =	ssyncset.done @!p2 $0x0  }
0x33: {  	[sflag:s22] =	ssyncadd.s32 @!p2 $0xFFFFFFC0  }
0x34: {  	[bflag:$0x0] =	sbarrier.arrive $0xFFFF  }
0x35: {  	s26 =	rddreg [dreg:$0xc]  }
0x36: {  	[tilespmem:s4], [sflag:$0xB] =	stream.linear.gather [hbm4b:s26+s4], $0x2710, $0x38;
	[tilespmem:$0x11BC0] =	vst v63  }
0x37: {  	_ =	swait.ge [sflag:s1], $0x2710  }
0x38: {  	s23 =	simm.s32 $0xC0;
	[sflag:s1] =	ssyncset.done $0x0  }
0x39: {  	s24 =	simm.s32 $0x0;
	s22 =	simm.s32 $0x2840;
	[sflag:s1] =	ssyncadd.s32 $0xFFFFD8F0  }
.LBB2_2:
0x3a: {  	v0 =	vld [tilespmem:s23+$0xFFFFFF40];
	_ =	sdelay $0x4  }
0x3b: {  	v0 =	vmax.f32 v0, $1.000000000e+00  }
0x3c: {  	v0 =	vmin.f32 v0, $4.999989990e+00  }
0x3d: {  	v0 =	vtrunc.f32 v0  }
0x3e: {  	v0 =	vcvt.f32.s32 v0;
	_ =	sdelay $0x1  }
0x3f: {  	v0 =	vadd.s32 $0xFFFFFFFF, v0  }
0x40: {  	[tilespmem:s22+$0xFFFFFF40] =	vst v0  }
0x41: {  	v0 =	vld [tilespmem:s23+$0xFFFFFF50];
	_ =	sdelay $0x4  }
0x42: {  	v0 =	vmax.f32 v0, $1.000000000e+00  }
0x43: {  	v0 =	vmin.f32 v0, $4.999989990e+00  }
0x44: {  	v0 =	vtrunc.f32 v0  }
0x45: {  	v0 =	vcvt.f32.s32 v0;
	_ =	sdelay $0x1  }
0x46: {  	v0 =	vadd.s32 $0xFFFFFFFF, v0  }
0x47: {  	[tilespmem:s22+$0xFFFFFF50] =	vst v0  }
0x48: {  	v0 =	vld [tilespmem:s23+$0xFFFFFF60];
	_ =	sdelay $0x4  }
0x49: {  	v0 =	vmax.f32 v0, $1.000000000e+00  }
0x4a: {  	v0 =	vmin.f32 v0, $4.999989990e+00  }
0x4b: {  	v0 =	vtrunc.f32 v0  }
0x4c: {  	v0 =	vcvt.f32.s32 v0;
	_ =	sdelay $0x1  }
0x4d: {  	v0 =	vadd.s32 $0xFFFFFFFF, v0  }
0x4e: {  	[tilespmem:s22+$0xFFFFFF60] =	vst v0  }
0x4f: {  	v0 =	vld [tilespmem:s23+$0xFFFFFF70];
	_ =	sdelay $0x4  }
0x50: {  	v0 =	vmax.f32 v0, $1.000000000e+00  }
0x51: {  	v0 =	vmin.f32 v0, $4.999989990e+00  }
0x52: {  	v0 =	vtrunc.f32 v0  }
0x53: {  	v0 =	vcvt.f32.s32 v0;
	_ =	sdelay $0x1  }
0x54: {  	v0 =	vadd.s32 $0xFFFFFFFF, v0  }
0x55: {  	[tilespmem:s22+$0xFFFFFF70] =	vst v0  }
0x56: {  	v0 =	vld [tilespmem:s23+$0xFFFFFF80];
	_ =	sdelay $0x4  }
0x57: {  	v0 =	vmax.f32 v0, $1.000000000e+00  }
0x58: {  	v0 =	vmin.f32 v0, $4.999989990e+00  }
0x59: {  	v0 =	vtrunc.f32 v0  }
0x5a: {  	v0 =	vcvt.f32.s32 v0;
	_ =	sdelay $0x1  }
0x5b: {  	v0 =	vadd.s32 $0xFFFFFFFF, v0  }
0x5c: {  	[tilespmem:s22+$0xFFFFFF80] =	vst v0  }
0x5d: {  	v0 =	vld [tilespmem:s23+$0xFFFFFF90];
	_ =	sdelay $0x4  }
0x5e: {  	v0 =	vmax.f32 v0, $1.000000000e+00  }
0x5f: {  	v0 =	vmin.f32 v0, $4.999989990e+00  }
0x60: {  	v0 =	vtrunc.f32 v0  }
0x61: {  	v0 =	vcvt.f32.s32 v0;
	_ =	sdelay $0x1  }
0x62: {  	v0 =	vadd.s32 $0xFFFFFFFF, v0  }
0x63: {  	[tilespmem:s22+$0xFFFFFF90] =	vst v0  }
0x64: {  	v0 =	vld [tilespmem:s23+$0xFFFFFFA0];
	_ =	sdelay $0x4  }
0x65: {  	v0 =	vmax.f32 v0, $1.000000000e+00  }
0x66: {  	v0 =	vmin.f32 v0, $4.999989990e+00  }
0x67: {  	v0 =	vtrunc.f32 v0  }
0x68: {  	v0 =	vcvt.f32.s32 v0;
	_ =	sdelay $0x1  }
0x69: {  	v0 =	vadd.s32 $0xFFFFFFFF, v0  }
0x6a: {  	[tilespmem:s22+$0xFFFFFFA0] =	vst v0  }
0x6b: {  	v0 =	vld [tilespmem:s23+$0xFFFFFFB0];
	_ =	sdelay $0x4  }
0x6c: {  	v0 =	vmax.f32 v0, $1.000000000e+00  }
0x6d: {  	v0 =	vmin.f32 v0, $4.999989990e+00  }
0x6e: {  	v0 =	vtrunc.f32 v0  }
0x6f: {  	v0 =	vcvt.f32.s32 v0;
	_ =	sdelay $0x1  }
0x70: {  	v0 =	vadd.s32 $0xFFFFFFFF, v0  }
0x71: {  	s25 =	sand.u32 $0x3FF0, s24;
	[tilespmem:s22+$0xFFFFFFB0] =	vst v0  }
0x72: {  	v0 =	vld [tilespmem:s25+$0x80];
	_ =	sdelay $0x4  }
0x73: {  	v0 =	vmax.f32 v0, $1.000000000e+00  }
0x74: {  	v0 =	vmin.f32 v0, $4.999989990e+00  }
0x75: {  	v0 =	vtrunc.f32 v0  }
0x76: {  	v0 =	vcvt.f32.s32 v0;
	_ =	sdelay $0x1  }
0x77: {  	v0 =	vadd.s32 $0xFFFFFFFF, v0  }
0x78: {  	[tilespmem:s25+$0x2800] =	vst v0  }
0x79: {  	v0 =	vld [tilespmem:s23+$0xFFFFFFD0];
	_ =	sdelay $0x4  }
0x7a: {  	v0 =	vmax.f32 v0, $1.000000000e+00  }
0x7b: {  	v0 =	vmin.f32 v0, $4.999989990e+00  }
0x7c: {  	v0 =	vtrunc.f32 v0  }
0x7d: {  	v0 =	vcvt.f32.s32 v0;
	_ =	sdelay $0x1  }
0x7e: {  	v0 =	vadd.s32 $0xFFFFFFFF, v0  }
0x7f: {  	[tilespmem:s22+$0xFFFFFFD0] =	vst v0  }
0x80: {  	v0 =	vld [tilespmem:s23+$0xFFFFFFE0];
	_ =	sdelay $0x4  }
0x81: {  	v0 =	vmax.f32 v0, $1.000000000e+00  }
0x82: {  	v0 =	vmin.f32 v0, $4.999989990e+00  }
0x83: {  	v0 =	vtrunc.f32 v0  }
0x84: {  	v0 =	vcvt.f32.s32 v0;
	_ =	sdelay $0x1  }
0x85: {  	v0 =	vadd.s32 $0xFFFFFFFF, v0  }
0x86: {  	[tilespmem:s22+$0xFFFFFFE0] =	vst v0  }
0x87: {  	v0 =	vld [tilespmem:s23+$0xFFFFFFF0];
	_ =	sdelay $0x4  }
0x88: {  	v0 =	vmax.f32 v0, $1.000000000e+00  }
0x89: {  	v0 =	vmin.f32 v0, $4.999989990e+00  }
0x8a: {  	v0 =	vtrunc.f32 v0  }
0x8b: {  	v0 =	vcvt.f32.s32 v0;
	_ =	sdelay $0x1  }
0x8c: {  	v0 =	vadd.s32 $0xFFFFFFFF, v0  }
0x8d: {  	[tilespmem:s22+$0xFFFFFFF0] =	vst v0  }
0x8e: {  	v0 =	vld [tilespmem:s23+$0x0];
	_ =	sdelay $0x4  }
0x8f: {  	v0 =	vmax.f32 v0, $1.000000000e+00  }
0x90: {  	v0 =	vmin.f32 v0, $4.999989990e+00  }
0x91: {  	v0 =	vtrunc.f32 v0  }
0x92: {  	v0 =	vcvt.f32.s32 v0;
	_ =	sdelay $0x1  }
0x93: {  	v0 =	vadd.s32 $0xFFFFFFFF, v0  }
0x94: {  	[tilespmem:s22+$0x0] =	vst v0  }
0x95: {  	v0 =	vld [tilespmem:s23+$0x10];
	_ =	sdelay $0x4  }
0x96: {  	v0 =	vmax.f32 v0, $1.000000000e+00  }
0x97: {  	v0 =	vmin.f32 v0, $4.999989990e+00  }
0x98: {  	v0 =	vtrunc.f32 v0  }
0x99: {  	v0 =	vcvt.f32.s32 v0;
	_ =	sdelay $0x1  }
0x9a: {  	v0 =	vadd.s32 $0xFFFFFFFF, v0  }
0x9b: {  	[tilespmem:s22+$0x10] =	vst v0  }
0x9c: {  	v0 =	vld [tilespmem:s23+$0x20];
	_ =	sdelay $0x4  }
0x9d: {  	v0 =	vmax.f32 v0, $1.000000000e+00  }
0x9e: {  	v0 =	vmin.f32 v0, $4.999989990e+00  }
0x9f: {  	v0 =	vtrunc.f32 v0  }
0xa0: {  	v0 =	vcvt.f32.s32 v0;
	_ =	sdelay $0x1  }
0xa1: {  	v0 =	vadd.s32 $0xFFFFFFFF, v0  }
0xa2: {  	[tilespmem:s22+$0x20] =	vst v0  }
0xa3: {  	v0 =	vld [tilespmem:s23+$0x30];
	_ =	sdelay $0x4  }
0xa4: {  	v0 =	vmax.f32 v0, $1.000000000e+00  }
0xa5: {  	v0 =	vmin.f32 v0, $4.999989990e+00  }
0xa6: {  	v0 =	vtrunc.f32 v0  }
0xa7: {  	v0 =	vcvt.f32.s32 v0;
	_ =	sdelay $0x1  }
0xa8: {  	v0 =	vadd.s32 $0xFFFFFFFF, v0  }
0xa9: {  	[tilespmem:s22+$0x30] =	vst v0  }
0xaa: {  	v0 =	vld [tilespmem:s25+$0x100];
	_ =	sdelay $0x4  }
0xab: {  	v0 =	vmax.f32 v0, $1.000000000e+00  }
0xac: {  	v0 =	vmin.f32 v0, $4.999989990e+00  }
0xad: {  	v0 =	vtrunc.f32 v0  }
0xae: {  	v0 =	vcvt.f32.s32 v0;
	_ =	sdelay $0x1  }
0xaf: {  	v0 =	vadd.s32 $0xFFFFFFFF, v0  }
0xb0: {  	[tilespmem:s25+$0x2880] =	vst v0  }
0xb1: {  	v0 =	vld [tilespmem:s23+$0x50];
	_ =	sdelay $0x4  }
0xb2: {  	v0 =	vmax.f32 v0, $1.000000000e+00  }
0xb3: {  	v0 =	vmin.f32 v0, $4.999989990e+00  }
0xb4: {  	v0 =	vtrunc.f32 v0  }
0xb5: {  	v0 =	vcvt.f32.s32 v0;
	_ =	sdelay $0x1  }
0xb6: {  	v0 =	vadd.s32 $0xFFFFFFFF, v0  }
0xb7: {  	[tilespmem:s22+$0x50] =	vst v0  }
0xb8: {  	v0 =	vld [tilespmem:s23+$0x60];
	_ =	sdelay $0x4  }
0xb9: {  	v0 =	vmax.f32 v0, $1.000000000e+00  }
0xba: {  	v0 =	vmin.f32 v0, $4.999989990e+00  }
0xbb: {  	v0 =	vtrunc.f32 v0  }
0xbc: {  	v0 =	vcvt.f32.s32 v0;
	_ =	sdelay $0x1  }
0xbd: {  	v0 =	vadd.s32 $0xFFFFFFFF, v0  }
0xbe: {  	[tilespmem:s22+$0x60] =	vst v0  }
0xbf: {  	v0 =	vld [tilespmem:s23+$0x70];
	_ =	sdelay $0x4  }
0xc0: {  	v0 =	vmax.f32 v0, $1.000000000e+00  }
0xc1: {  	v0 =	vmin.f32 v0, $4.999989990e+00  }
0xc2: {  	v0 =	vtrunc.f32 v0  }
0xc3: {  	v0 =	vcvt.f32.s32 v0;
	_ =	sdelay $0x1  }
0xc4: {  	v0 =	vadd.s32 $0xFFFFFFFF, v0  }
0xc5: {  	[tilespmem:s22+$0x70] =	vst v0  }
0xc6: {  	v0 =	vld [tilespmem:s23+$0x80];
	_ =	sdelay $0x4  }
0xc7: {  	v0 =	vmax.f32 v0, $1.000000000e+00  }
0xc8: {  	v0 =	vmin.f32 v0, $4.999989990e+00  }
0xc9: {  	v0 =	vtrunc.f32 v0  }
0xca: {  	v0 =	vcvt.f32.s32 v0;
	_ =	sdelay $0x1  }
0xcb: {  	v0 =	vadd.s32 $0xFFFFFFFF, v0  }
0xcc: {  	[tilespmem:s22+$0x80] =	vst v0  }
0xcd: {  	v0 =	vld [tilespmem:s23+$0x90];
	_ =	sdelay $0x4  }
0xce: {  	v0 =	vmax.f32 v0, $1.000000000e+00  }
0xcf: {  	v0 =	vmin.f32 v0, $4.999989990e+00  }
0xd0: {  	v0 =	vtrunc.f32 v0  }
0xd1: {  	v0 =	vcvt.f32.s32 v0;
	_ =	sdelay $0x1  }
0xd2: {  	v0 =	vadd.s32 $0xFFFFFFFF, v0  }
0xd3: {  	[tilespmem:s22+$0x90] =	vst v0  }
0xd4: {  	v0 =	vld [tilespmem:s23+$0xA0];
	_ =	sdelay $0x4  }
0xd5: {  	v0 =	vmax.f32 v0, $1.000000000e+00  }
0xd6: {  	v0 =	vmin.f32 v0, $4.999989990e+00  }
0xd7: {  	v0 =	vtrunc.f32 v0  }
0xd8: {  	v0 =	vcvt.f32.s32 v0;
	_ =	sdelay $0x1  }
0xd9: {  	v0 =	vadd.s32 $0xFFFFFFFF, v0  }
0xda: {  	[tilespmem:s22+$0xA0] =	vst v0  }
0xdb: {  	v0 =	vld [tilespmem:s23+$0xB0];
	_ =	sdelay $0x4  }
0xdc: {  	v0 =	vmax.f32 v0, $1.000000000e+00  }
0xdd: {  	v0 =	vmin.f32 v0, $4.999989990e+00  }
0xde: {  	v0 =	vtrunc.f32 v0  }
0xdf: {  	v0 =	vcvt.f32.s32 v0;
	_ =	sdelay $0x1  }
0xe0: {  	v0 =	vadd.s32 $0xFFFFFFFF, v0  }
0xe1: {  	[tilespmem:s22+$0xB0] =	vst v0  }
0xe2: {  	v0 =	vld [tilespmem:s25+$0x180];
	_ =	sdelay $0x4  }
0xe3: {  	v0 =	vmax.f32 v0, $1.000000000e+00  }
0xe4: {  	p3 =	sne.s32 s24, $0x2580;
	v0 =	vmin.f32 v0, $4.999989990e+00  }
.Ltmp0:
0xe5: {  	v0 =	vtrunc.f32 v0;
	(pc) =	sbr.rel @p3 .LBB2_2-.Ltmp0, $3  }
0xe6: {  	v0 =	vcvt.f32.s32 v0;
	_ =	sdelay $0x1  }
0xe7: {  	v0 =	vadd.s32 $0xFFFFFFFF, v0  }
0xe8: {  	s24 =	sadd.s32 $0x190, s24;
	s23 =	sadd.s32 $0x190, s23;
	s22 =	sadd.s32 $0x190, s22;
	[tilespmem:s25+$0x2900] =	vst v0  }
0xe9: {  	s22 =	simm.s32 $0x2780  }
0xea: {  	[tilespmem:s5], [sflag:$0x1] =	stream.indirect.gather [spmem:s2], $0x80, s22, s0, $0xb8;
	[tilespmem:$0x11BC0] =	vst v63  }
0xeb: {  	s25 =	simm.s32 $0x27D0  }
0xec: {  	[tilespmem:s6], [sflag:$0x2] =	stream.indirect.gather [spmem:s2], $0x80, s25, s0, $0xb8;
	[tilespmem:$0x11BC0] =	vst v63  }
0xed: {  	s26 =	simm.s32 $0x2820  }
0xee: {  	[tilespmem:s7], [sflag:$0x3] =	stream.indirect.gather [spmem:s2], $0x80, s26, s0, $0xb8;
	[tilespmem:$0x11BC0] =	vst v63  }
0xef: {  	s23 =	simm.s32 $0x2870  }
0xf0: {  	[tilespmem:s8], [sflag:$0x4] =	stream.indirect.gather [spmem:s2], $0x80, s23, s0, $0xb8;
	[tilespmem:$0x11BC0] =	vst v63  }
0xf1: {  	s24 =	simm.s32 $0x28C0  }
0xf2: {  	[tilespmem:s9], [sflag:$0x5] =	stream.indirect.gather [spmem:s2], $0x80, s24, s0, $0xb8;
	[tilespmem:$0x11BC0] =	vst v63  }
0xf3: {  	_ =	swait.ge [sflag:s10], $0x2800  }
0xf4: {  	[sflag:s10] =	ssyncset.done $0x0  }
0xf5: {  	s22 =	simm.s32 $0x0;
	s23 =	rddreg [dreg:$0xd];
	[sflag:s10] =	ssyncadd.s32 $0xFFFFD800  }
0xf6: {  	[hbm4b:s23+s22] =	stream.linear.scatter [tilespmem:s5], [sflag:$0x6], $0x2800, $0x38;
	[tilespmem:$0x11BC0] =	vst v63  }
0xf7: {  	_ =	swait.ge [sflag:s11], $0x2800  }
0xf8: {  	[sflag:s11] =	ssyncset.done $0x0  }
0xf9: {  	s25 =	rddreg [dreg:$0xe];
	[sflag:s11] =	ssyncadd.s32 $0xFFFFD800  }
0xfa: {  	[hbm4b:s25+s22] =	stream.linear.scatter [tilespmem:s6], [sflag:$0x7], $0x2800, $0x38;
	[tilespmem:$0x11BC0] =	vst v63  }
0xfb: {  	_ =	swait.ge [sflag:s12], $0x2800  }
0xfc: {  	[sflag:s12] =	ssyncset.done $0x0  }
0xfd: {  	s26 =	rddreg [dreg:$0xf];
	[sflag:s12] =	ssyncadd.s32 $0xFFFFD800  }
0xfe: {  	[hbm4b:s26+s22] =	stream.linear.scatter [tilespmem:s7], [sflag:$0x8], $0x2800, $0x38;
	[tilespmem:$0x11BC0] =	vst v63  }
0xff: {  	_ =	swait.ge [sflag:s13], $0x2800  }
0x100: {  	[sflag:s13] =	ssyncset.done $0x0  }
0x101: {  	s24 =	rddreg [dreg:$0x10];
	[sflag:s13] =	ssyncadd.s32 $0xFFFFD800  }
0x102: {  	[hbm4b:s24+s22] =	stream.linear.scatter [tilespmem:s8], [sflag:$0x9], $0x2800, $0x38;
	[tilespmem:$0x11BC0] =	vst v63  }
0x103: {  	_ =	swait.ge [sflag:s14], $0x2800  }
0x104: {  	[sflag:s14] =	ssyncset.done $0x0  }
0x105: {  	s25 =	rddreg [dreg:$0x11];
	[sflag:s14] =	ssyncadd.s32 $0xFFFFD800  }
0x106: {  	[hbm4b:s25+s22] =	stream.linear.scatter [tilespmem:s9], [sflag:$0xA], $0x2800, $0x38;
	[tilespmem:$0x11BC0] =	vst v63  }
0x107: {  	_ =	swait.ge [sflag:s15], $0x2800  }
0x108: {  	[sflag:s15] =	ssyncset.done $0x0  }
0x109: {  	s26 =	simm.s32 $0x2910;
	[sflag:s15] =	ssyncadd.s32 $0xFFFFD800  }
0x10a: {  	[tilespmem:s5], [sflag:$0x1] =	stream.indirect.gather [spmem:s2], $0x80, s26, s0, $0xb8;
	[tilespmem:$0x11BC0] =	vst v63  }
0x10b: {  	_ =	swait.ge [sflag:s16], $0x2800  }
0x10c: {  	[sflag:s16] =	ssyncset.done $0x0  }
0x10d: {  	s23 =	simm.s32 $0x2960;
	[sflag:s16] =	ssyncadd.s32 $0xFFFFD800  }
0x10e: {  	[tilespmem:s6], [sflag:$0x2] =	stream.indirect.gather [spmem:s2], $0x80, s23, s0, $0xb8;
	[tilespmem:$0x11BC0] =	vst v63  }
0x10f: {  	_ =	swait.ge [sflag:s17], $0x2800  }
0x110: {  	[sflag:s17] =	ssyncset.done $0x0  }
0x111: {  	s24 =	simm.s32 $0x29B0;
	[sflag:s17] =	ssyncadd.s32 $0xFFFFD800  }
0x112: {  	[tilespmem:s7], [sflag:$0x3] =	stream.indirect.gather [spmem:s2], $0x80, s24, s0, $0xb8;
	[tilespmem:$0x11BC0] =	vst v63  }
0x113: {  	_ =	swait.ge [sflag:s18], $0x2800  }
0x114: {  	[sflag:s18] =	ssyncset.done $0x0  }
0x115: {  	s25 =	simm.s32 $0x2A00;
	[sflag:s18] =	ssyncadd.s32 $0xFFFFD800  }
0x116: {  	[tilespmem:s8], [sflag:$0x4] =	stream.indirect.gather [spmem:s2], $0x80, s25, s0, $0xb8;
	[tilespmem:$0x11BC0] =	vst v63  }
0x117: {  	_ =	swait.ge [sflag:s19], $0x2800  }
0x118: {  	[sflag:s19] =	ssyncset.done $0x0  }
0x119: {  	s26 =	simm.s32 $0x2A50;
	[sflag:s19] =	ssyncadd.s32 $0xFFFFD800  }
0x11a: {  	[tilespmem:s9], [sflag:$0x5] =	stream.indirect.gather [spmem:s2], $0x80, s26, s0, $0xb8;
	[tilespmem:$0x11BC0] =	vst v63  }
0x11b: {  	_ =	swait.ge [sflag:s10], $0x2800  }
0x11c: {  	s23 =	rddreg [dreg:$0x9]  }
0x11d: {  	[sflag:s10] =	ssyncset.done $0x0;
	s23 =	sadd.s32 $0x0, s23  }
0x11e: {  	[sflag:s10] =	ssyncadd.s32 $0xFFFFD800;
	s22 =	sadd.s32 $0x1900, s23  }
0x11f: {  	[hbm4b:s22+s4] =	stream.linear.scatter [tilespmem:s5], [sflag:$0x6], $0x2800, $0x38;
	[tilespmem:$0x11BC0] =	vst v63  }
0x120: {  	_ =	swait.ge [sflag:s11], $0x2800  }
0x121: {  	[sflag:s11] =	ssyncset.done $0x0  }
0x122: {  	s24 =	sadd.s32 $0x1E00, s23;
	[sflag:s11] =	ssyncadd.s32 $0xFFFFD800  }
0x123: {  	[hbm4b:s24+s4] =	stream.linear.scatter [tilespmem:s6], [sflag:$0x7], $0x2800, $0x38;
	[tilespmem:$0x11BC0] =	vst v63  }
0x124: {  	_ =	swait.ge [sflag:s12], $0x2800  }
0x125: {  	[sflag:s12] =	ssyncset.done $0x0  }
0x126: {  	s25 =	sadd.s32 $0x2300, s23;
	[sflag:s12] =	ssyncadd.s32 $0xFFFFD800  }
0x127: {  	[hbm4b:s25+s4] =	stream.linear.scatter [tilespmem:s7], [sflag:$0x8], $0x2800, $0x38;
	[tilespmem:$0x11BC0] =	vst v63  }
0x128: {  	_ =	swait.ge [sflag:s13], $0x2800  }
0x129: {  	[sflag:s13] =	ssyncset.done $0x0  }
0x12a: {  	s26 =	sadd.s32 $0x2800, s23;
	[sflag:s13] =	ssyncadd.s32 $0xFFFFD800  }
0x12b: {  	[hbm4b:s26+s4] =	stream.linear.scatter [tilespmem:s8], [sflag:$0x9], $0x2800, $0x38;
	[tilespmem:$0x11BC0] =	vst v63  }
0x12c: {  	_ =	swait.ge [sflag:s14], $0x2800  }
0x12d: {  	s22 =	simm.s32 $0x1900;
	[sflag:s14] =	ssyncset.done $0x0  }
0x12e: {  	s24 =	sadd.s32 $0x2D00, s23;
	s23 =	simm.s32 $0x2BE0;
	[sflag:s14] =	ssyncadd.s32 $0xFFFFD800  }
.LBB2_4:
0x12f: {  	[hbm4b:s24+s4] =	stream.linear.scatter [tilespmem:s9], [sflag:$0xA], $0x2800, $0x38;
	[tilespmem:$0x11BC0] =	vst v63  }
0x130: {  	_ =	swait.ge [sflag:s15], $0x2800  }
0x131: {  	[sflag:s15] =	ssyncset.done $0x0  }
0x132: {  	s25 =	sadd.s32 $0xFFFFFEC0, s23;
	[sflag:s15] =	ssyncadd.s32 $0xFFFFD800  }
0x133: {  	[tilespmem:s5], [sflag:$0x1] =	stream.indirect.gather [spmem:s2], $0x80, s25, s0, $0xb8;
	[tilespmem:$0x11BC0] =	vst v63  }
0x134: {  	_ =	swait.ge [sflag:s16], $0x2800  }
0x135: {  	[sflag:s16] =	ssyncset.done $0x0  }
0x136: {  	s26 =	sadd.s32 $0xFFFFFF10, s23;
	[sflag:s16] =	ssyncadd.s32 $0xFFFFD800  }
0x137: {  	[tilespmem:s6], [sflag:$0x2] =	stream.indirect.gather [spmem:s2], $0x80, s26, s0, $0xb8;
	[tilespmem:$0x11BC0] =	vst v63  }
0x138: {  	_ =	swait.ge [sflag:s17], $0x2800  }
0x139: {  	[sflag:s17] =	ssyncset.done $0x0  }
0x13a: {  	s26 =	sadd.s32 $0xFFFFFF60, s23;
	[sflag:s17] =	ssyncadd.s32 $0xFFFFD800  }
0x13b: {  	[tilespmem:s7], [sflag:$0x3] =	stream.indirect.gather [spmem:s2], $0x80, s26, s0, $0xb8;
	[tilespmem:$0x11BC0] =	vst v63  }
0x13c: {  	_ =	swait.ge [sflag:s18], $0x2800  }
0x13d: {  	[sflag:s18] =	ssyncset.done $0x0  }
0x13e: {  	s26 =	sadd.s32 $0xFFFFFFB0, s23;
	[sflag:s18] =	ssyncadd.s32 $0xFFFFD800  }
0x13f: {  	[tilespmem:s8], [sflag:$0x4] =	stream.indirect.gather [spmem:s2], $0x80, s26, s0, $0xb8;
	[tilespmem:$0x11BC0] =	vst v63  }
0x140: {  	_ =	swait.ge [sflag:s19], $0x2800  }
0x141: {  	[sflag:s19] =	ssyncset.done $0x0  }
0x142: {  	[sflag:s19] =	ssyncadd.s32 $0xFFFFD800  }
0x143: {  	[tilespmem:s9], [sflag:$0x5] =	stream.indirect.gather [spmem:s2], $0x80, s23, s0, $0xb8;
	[tilespmem:$0x11BC0] =	vst v63  }
0x144: {  	_ =	swait.ge [sflag:s10], $0x2800  }
0x145: {  	s24 =	smov.u32 s22;
	s26 =	rddreg [dreg:$0x9]  }
0x146: {  	[sflag:s10] =	ssyncset.done $0x0;
	s24 =	sadd.s32 s24, s26  }
0x147: {  	[sflag:s10] =	ssyncadd.s32 $0xFFFFD800;
	s25 =	sadd.s32 $0x1900, s24  }
0x148: {  	[hbm4b:s25+s4] =	stream.linear.scatter [tilespmem:s5], [sflag:$0x6], $0x2800, $0x38;
	[tilespmem:$0x11BC0] =	vst v63  }
0x149: {  	_ =	swait.ge [sflag:s11], $0x2800  }
0x14a: {  	[sflag:s11] =	ssyncset.done $0x0  }
0x14b: {  	s26 =	sadd.s32 $0x1E00, s24;
	[sflag:s11] =	ssyncadd.s32 $0xFFFFD800  }
0x14c: {  	[hbm4b:s26+s4] =	stream.linear.scatter [tilespmem:s6], [sflag:$0x7], $0x2800, $0x38;
	[tilespmem:$0x11BC0] =	vst v63  }
0x14d: {  	_ =	swait.ge [sflag:s12], $0x2800  }
0x14e: {  	[sflag:s12] =	ssyncset.done $0x0  }
0x14f: {  	s26 =	sadd.s32 $0x2300, s24;
	[sflag:s12] =	ssyncadd.s32 $0xFFFFD800  }
0x150: {  	[hbm4b:s26+s4] =	stream.linear.scatter [tilespmem:s7], [sflag:$0x8], $0x2800, $0x38;
	[tilespmem:$0x11BC0] =	vst v63  }
0x151: {  	_ =	swait.ge [sflag:s13], $0x2800  }
0x152: {  	p3 =	sne.s32 s22, $0x23F00;
	[sflag:s13] =	ssyncset.done $0x0  }
.Ltmp1:
0x153: {  	s26 =	sadd.s32 $0x2800, s24;
	[sflag:s13] =	ssyncadd.s32 $0xFFFFD800;
	(pc) =	sbr.rel @p3 .LBB2_4-.Ltmp1, $4  }
0x154: {  	[hbm4b:s26+s4] =	stream.linear.scatter [tilespmem:s8], [sflag:$0x9], $0x2800, $0x38;
	[tilespmem:$0x11BC0] =	vst v63  }
0x155: {  	_ =	swait.ge [sflag:s14], $0x2800  }
0x156: {  	s22 =	sadd.s32 $0x1900, s22;
	[sflag:s14] =	ssyncset.done $0x0  }
0x157: {  	s23 =	sadd.s32 $0x190, s23;
	s24 =	sadd.s32 $0x2D00, s24;
	[sflag:s14] =	ssyncadd.s32 $0xFFFFD800  }
0x158: {  	[hbm4b:s24+s4] =	stream.linear.scatter [tilespmem:s9], [sflag:$0xA], $0x2800, $0x38;
	[tilespmem:$0x11BC0] =	vst v63  }
0x159: {  	_ =	swait.ge [sflag:s15], $0x2800  }
0x15a: {  	[sflag:s15] =	ssyncset.done $0x0  }
0x15b: {  	[sflag:s15] =	ssyncadd.s32 $0xFFFFD800  }
0x15c: {  	_ =	swait.ge [sflag:s16], $0x2800  }
0x15d: {  	[sflag:s16] =	ssyncset.done $0x0  }
0x15e: {  	[sflag:s16] =	ssyncadd.s32 $0xFFFFD800  }
0x15f: {  	_ =	swait.ge [sflag:s17], $0x2800  }
0x160: {  	[sflag:s17] =	ssyncset.done $0x0  }
0x161: {  	[sflag:s17] =	ssyncadd.s32 $0xFFFFD800  }
0x162: {  	_ =	swait.ge [sflag:s18], $0x2800  }
0x163: {  	[sflag:s18] =	ssyncset.done $0x0  }
0x164: {  	[sflag:s18] =	ssyncadd.s32 $0xFFFFD800  }
0x165: {  	_ =	swait.ge [sflag:s19], $0x2800  }
0x166: {  	[sflag:s19] =	ssyncset.done $0x0  }
0x167: {  	s22 =	rddreg [dreg:$0x12];
	[sflag:s19] =	ssyncadd.s32 $0xFFFFD800  }
0x168: {  	[tilespmem:s20], [sflag:$0xB] =	stream.linear.gather [hbm4b:s22+s4], $0x138, $0x38;
	[tilespmem:$0x11BC0] =	vst v63  }
0x169: {  	_ =	swait.ge [sflag:s1], $0x138  }
0x16a: {  	[sflag:s1] =	ssyncset.done $0x0  }
0x16b: {  	[sflag:s1] =	ssyncadd.s32 $0xFFFFFEC8  }
0x16c: {  	[tilespmem:s5], [sflag:$0x1] =	stream.indirect.gather [spmem:s3], $0x80, s20, s0, $0xb8;
	[tilespmem:$0x11BC0] =	vst v63  }
0x16d: {  	s24 =	rddreg [dreg:$0x13]  }
0x16e: {  	[tilespmem:s6], [sflag:$0x2] =	stream.linear.gather [hbm4b:s24+s4], $0x2800, $0x38;
	[tilespmem:$0x11BC0] =	vst v63  }
0x16f: {  	s25 =	simm.s32 $0x4F50  }
0x170: {  	[tilespmem:s7], [sflag:$0x3] =	stream.indirect.gather [spmem:s3], $0x80, s25, s0, $0xb8;
	[tilespmem:$0x11BC0] =	vst v63  }
0x171: {  	s26 =	rddreg [dreg:$0x14]  }
0x172: {  	[tilespmem:s8], [sflag:$0x4] =	stream.linear.gather [hbm4b:s26+s4], $0x2800, $0x38;
	[tilespmem:$0x11BC0] =	vst v63  }
0x173: {  	_ =	swait.ge [sflag:s10], $0x2800  }
0x174: {  	[sflag:s10] =	ssyncset.done $0x0  }
0x175: {  	s23 =	rddreg [dreg:$0x15];
	[sflag:s10] =	ssyncadd.s32 $0xFFFFD800  }
0x176: {  	[hbm4b:s23+s4] =	stream.linear.scatter [tilespmem:s5], [sflag:$0xB], $0x2800, $0x38;
	[tilespmem:$0x11BC0] =	vst v63  }
0x177: {  	_ =	swait.ge [sflag:s1], $0x2800  }
0x178: {  	[sflag:s1] =	ssyncset.done $0x0  }
0x179: {  	[sflag:s1] =	ssyncadd.s32 $0xFFFFD800  }
0x17a: {  	_ =	swait.ge [sflag:s11], $0x2800  }
0x17b: {  	[sflag:s11] =	ssyncset.done $0x0  }
0x17c: {  	s24 =	rddreg [dreg:$0x16];
	[sflag:s11] =	ssyncadd.s32 $0xFFFFD800  }
0x17d: {  	[hbm4b:s24+s4] =	stream.linear.scatter [tilespmem:s6], [sflag:$0xB], $0x2800, $0x38;
	[tilespmem:$0x11BC0] =	vst v63  }
0x17e: {  	_ =	swait.ge [sflag:s1], $0x2800  }
0x17f: {  	[sflag:s1] =	ssyncset.done $0x0  }
0x180: {  	s25 =	simm.s32 $0x4FA0;
	[sflag:s1] =	ssyncadd.s32 $0xFFFFD800  }
0x181: {  	[tilespmem:s5], [sflag:$0x1] =	stream.indirect.gather [spmem:s3], $0x80, s25, s0, $0xb8;
	[tilespmem:$0x11BC0] =	vst v63  }
0x182: {  	s26 =	rddreg [dreg:$0x19]  }
0x183: {  	[tilespmem:s6], [sflag:$0x2] =	stream.linear.gather [hbm4b:s26+s4], $0x2800, $0x38;
	[tilespmem:$0x11BC0] =	vst v63  }
0x184: {  	_ =	swait.ge [sflag:s12], $0x2800  }
0x185: {  	[sflag:s12] =	ssyncset.done $0x0  }
0x186: {  	s23 =	rddreg [dreg:$0x17];
	[sflag:s12] =	ssyncadd.s32 $0xFFFFD800  }
0x187: {  	[hbm4b:s23+s4] =	stream.linear.scatter [tilespmem:s7], [sflag:$0xB], $0x2800, $0x38;
	[tilespmem:$0x11BC0] =	vst v63  }
0x188: {  	_ =	swait.ge [sflag:s1], $0x2800  }
0x189: {  	[sflag:s1] =	ssyncset.done $0x0  }
0x18a: {  	[sflag:s1] =	ssyncadd.s32 $0xFFFFD800  }
0x18b: {  	_ =	swait.ge [sflag:s13], $0x2800  }
0x18c: {  	[sflag:s13] =	ssyncset.done $0x0  }
0x18d: {  	s24 =	rddreg [dreg:$0x18];
	[sflag:s13] =	ssyncadd.s32 $0xFFFFD800  }
0x18e: {  	[hbm4b:s24+s4] =	stream.linear.scatter [tilespmem:s8], [sflag:$0xB], $0x2800, $0x38;
	[tilespmem:$0x11BC0] =	vst v63  }
0x18f: {  	_ =	swait.ge [sflag:s1], $0x2800  }
0x190: {  	[sflag:s1] =	ssyncset.done $0x0  }
0x191: {  	s25 =	simm.s32 $0x48;
	s23 =	simm.s32 $0x4FF0;
	[sflag:s1] =	ssyncadd.s32 $0xFFFFD800  }
0x192: {  	[tilespmem:s7], [sflag:$0x3] =	stream.indirect.gather [spmem:s3], $0x80, s23, s25, $0xb8;
	[tilespmem:$0x11BC0] =	vst v63  }
0x193: {  	s26 =	rddreg [dreg:$0x1c]  }
0x194: {  	[tilespmem:s8], [sflag:$0x4] =	stream.linear.gather [hbm4b:s26+s4], $0x2400, $0x38;
	[tilespmem:$0x11BC0] =	vst v63  }
0x195: {  	_ =	swait.ge [sflag:s10], $0x2800  }
0x196: {  	[sflag:s10] =	ssyncset.done $0x0  }
0x197: {  	s23 =	rddreg [dreg:$0x1a];
	[sflag:s10] =	ssyncadd.s32 $0xFFFFD800  }
0x198: {  	[hbm4b:s23+s4] =	stream.linear.scatter [tilespmem:s5], [sflag:$0xB], $0x2800, $0x38;
	[tilespmem:$0x11BC0] =	vst v63  }
0x199: {  	_ =	swait.ge [sflag:s1], $0x2800  }
0x19a: {  	[sflag:s1] =	ssyncset.done $0x0  }
0x19b: {  	[sflag:s1] =	ssyncadd.s32 $0xFFFFD800  }
0x19c: {  	_ =	swait.ge [sflag:s11], $0x2800  }
0x19d: {  	[sflag:s11] =	ssyncset.done $0x0  }
0x19e: {  	s24 =	rddreg [dreg:$0x1b];
	[sflag:s11] =	ssyncadd.s32 $0xFFFFD800  }
0x19f: {  	[hbm4b:s24+s4] =	stream.linear.scatter [tilespmem:s6], [sflag:$0xB], $0x2800, $0x38;
	[tilespmem:$0x11BC0] =	vst v63  }
0x1a0: {  	_ =	swait.ge [sflag:s1], $0x2800  }
0x1a1: {  	[sflag:s1] =	ssyncset.done $0x0  }
0x1a2: {  	[sflag:s1] =	ssyncadd.s32 $0xFFFFD800  }
0x1a3: {  	_ =	swait.ge [sflag:s12], $0x2400  }
0x1a4: {  	[sflag:s12] =	ssyncset.done $0x0  }
0x1a5: {  	s25 =	rddreg [dreg:$0x1d];
	[sflag:s12] =	ssyncadd.s32 $0xFFFFDC00  }
0x1a6: {  	[hbm4b:s25+s4] =	stream.linear.scatter [tilespmem:s7], [sflag:$0xB], $0x2400, $0x38;
	[tilespmem:$0x11BC0] =	vst v63  }
0x1a7: {  	_ =	swait.ge [sflag:s1], $0x2400  }
0x1a8: {  	[sflag:s1] =	ssyncset.done $0x0  }
0x1a9: {  	[sflag:s1] =	ssyncadd.s32 $0xFFFFDC00  }
0x1aa: {  	_ =	swait.ge [sflag:s13], $0x2400  }
0x1ab: {  	[sflag:s13] =	ssyncset.done $0x0  }
0x1ac: {  	s26 =	rddreg [dreg:$0x1e];
	[sflag:s13] =	ssyncadd.s32 $0xFFFFDC00  }
0x1ad: {  	[hbm4b:s26+s4] =	stream.linear.scatter [tilespmem:s8], [sflag:$0xB], $0x2400, $0x38;
	[tilespmem:$0x11BC0] =	vst v63  }
0x1ae: {  	_ =	swait.ge [sflag:s1], $0x2400  }
0x1af: {  	s22 =	simm.s32 @!p0 $0x0;
	[sflag:s1] =	ssyncset.done $0x0  }
0x1b0: {  	s23 =	simm.s32 @!p0 $0x4F00;
	s24 =	rddreg [dreg:$0x1f];
	[sflag:s1] =	ssyncadd.s32 $0xFFFFDC00  }
0x1b1: {  	[tilespmem:s23], [sflag:$0xB] =	stream.linear.gather @!p0 [hbm4b:s24+s22], $0x10, $0x38;
	[tilespmem:$0x11BC0] =	vst v63  }
0x1b2: {  	s24 =	simm.s32 @!p0 $0xB  }
0x1b3: {  	_ =	swait.ge @!p0 [sflag:s24], $0x10  }
0x1b4: {  	[sflag:s24] =	ssyncset.done @!p0 $0x0  }
0x1b5: {  	s25 =	simm.s32 @!p0 $0x10;
	s26 =	simm.s32 @!p0 $0x53C0;
	[sflag:s24] =	ssyncadd.s32 @!p0 $0xFFFFFFF0  }
0x1b6: {  	[tilespmem:s26], [sflag:$0x1] =	stream.indirect.gather @!p0 [spmem:s3], $0x80, s23, s25, $0xb8;
	[tilespmem:$0x11BC0] =	vst v63  }
0x1b7: {  	s23 =	simm.s32 @!p0 $0x7BC0;
	s25 =	simm.s32 @!p0 $0x1  }
0x1b8: {  	[tilespmem:s23], [sflag:$0x2] =	stream.linear.gather @!p0 [hbm4b:s28+s22], $0x800, $0x38;
	[tilespmem:$0x11BC0] =	vst v63  }
0x1b9: {  	_ =	swait.ge @!p0 [sflag:s25], $0x800  }
0x1ba: {  	[sflag:s25] =	ssyncset.done @!p0 $0x0  }
0x1bb: {  	[sflag:s25] =	ssyncadd.s32 @!p0 $0xFFFFF800  }
0x1bc: {  	[hbm4b:s29+s22] =	stream.linear.scatter @!p0 [tilespmem:s26], [sflag:$0xB], $0x800, $0x38;
	[tilespmem:$0x11BC0] =	vst v63  }
0x1bd: {  	_ =	swait.ge @!p0 [sflag:s24], $0x800  }
0x1be: {  	[sflag:s24] =	ssyncset.done @!p0 $0x0  }
0x1bf: {  	s25 =	simm.s32 @!p0 $0x2;
	[sflag:s24] =	ssyncadd.s32 @!p0 $0xFFFFF800  }
0x1c0: {  	s21 =	sadd.s32 $0x1, s21;
	_ =	swait.ge @!p0 [sflag:s25], $0x800  }
0x1c1: {  	p3 =	sne.s32 s21, s31;
	[sflag:s25] =	ssyncset.done @!p0 $0x0  }
.Ltmp2:
0x1c2: {  	[sflag:s25] =	ssyncadd.s32 @!p0 $0xFFFFF800;
	(pc) =	sbr.rel @p3 .LBB2_1-.Ltmp2, $4  }
0x1c3: {  	[hbm4b:s30+s22] =	stream.linear.scatter @!p0 [tilespmem:s23], [sflag:$0xB], $0x800, $0x38;
	[tilespmem:$0x11BC0] =	vst v63  }
0x1c4: {  	_ =	swait.ge @!p0 [sflag:s24], $0x800  }
0x1c5: {  	[sflag:s24] =	ssyncset.done @!p0 $0x0  }
0x1c6: {  	[sflag:s24] =	ssyncadd.s32 @!p0 $0xFFFFF800  }
0x1c7: {  	_ =	sfence.sel $0x180000  }
0x1c8: {  	[bflag:$0x0] =	sbarrier.arrive $0xFFFF  }
0x1c9: {  	_ =	strace $0x90000047  }
0x1ca: {  	s0 =	stileid.u32;
	[bflag:$0x2] =	sbarrier.arrive $0xFFFF  }
0x1cb: {  	p0 =	sne.s32 s0, $0x0;
	s0 =	rddreg [dreg:$0x8]  }
0x1cc: {  	s0 =	sadd.s32 @!p0 $0x100000, s0  }
0x1cd: {  	[sflag:s0] =	ssyncadd.tile.s32 @!p0 $0x1;
	_ =	shalt  }
.Lfunc_end2:
_tile_overlayer_lowered:
.L_overlay_start_2:
0x1ce: {  	(tag) =	ssettag $0x2  }
0x1cf: {  	s0 =	rddreg [dreg:$0x0];
	s2 =	stileid.u32  }
0x1d0: {  	s1 =	rddreg [dreg:$0x1];
	p0 =	sne.s32 s2, $0x0  }
0x1d1: {  	s3 =	rddreg [dreg:$0x2];
	[bflag:$0x3] =	sbarrier.arrive $0xFFFF;
	s2 =	simm.s32 @!p0 $0x1C0B  }
0x1d2: {  	[timem:s3], [sflag:s2] =	dma.local @!p0 [hbm:s0], s1  }
0x1d3: {  	s0 =	simm.s32 @!p0 $0xB  }
0x1d4: {  	_ =	swait.ge @!p0 [sflag:s0], s1  }
0x1d5: {  	s1 =	ssub.s32 @!p0 $0x0, s1;
	[sflag:s0] =	ssyncset.done @!p0 $0x0  }
0x1d6: {  	[sflag:s0] =	ssyncadd.s32 @!p0 s1  }
0x1d7: {  	[bflag:$0x3] =	sbarrier.arrive $0xFFFF  }
0x1d8: {  	_ =	shalt  }

</sc_bundles>
